<compile_context>
chip_gen: v7x
topology: tpu7x:2x2x1
jax: 0.10.2.dev20260603
libtpu: 0.0.44.dev20260713+nightly
codegen_flags: <defaults>
</compile_context>

<pallas_src>
import functools

import jax
import jax.numpy as jnp
from jax import lax
from jax.experimental import pallas as pl
from jax.experimental.pallas import tpu as pltpu
from jax.experimental.pallas import tpu_sc as plsc

_INTERPRET = False

NUM_GATES_K = 64
EPS_K = 1e-09
BN = 512
CHUNK = 16


def _gate_kernel(nb, cap, n_tok, nbatch, x_ref, w_ref, t1_ref, v1_ref,
                 t2_ref, v2_ref, loss_ref, i2_s, p2_s, g2_s, cnt_s, prx_s,
                 carry1, carry2):
    i = pl.program_id(0)
    E = NUM_GATES_K
    capf = float(cap)
    bi = i // nb
    ni = lax.rem(i, nb)

    @pl.when(i == 0)
    def _():
        cnt_s[...] = jnp.zeros_like(cnt_s)
        prx_s[...] = jnp.zeros_like(prx_s)

    @pl.when(ni == 0)
    def _():
        carry1[...] = jnp.zeros_like(carry1)
        carry2[...] = jnp.zeros_like(carry2)

    xb = x_ref[0]
    w = w_ref[...]
    logits = jnp.dot(xb, w, preferred_element_type=jnp.float32)
    probs = jax.nn.softmax(logits, axis=-1)

    e_iota = lax.broadcasted_iota(jnp.int32, (BN, E), 1)
    g1 = jnp.max(probs, axis=-1, keepdims=True)
    i1 = jnp.min(jnp.where(probs == g1, e_iota, E), axis=-1, keepdims=True)
    m1 = (e_iota == i1).astype(jnp.float32)
    pnt = probs * (1.0 - m1)
    g2 = jnp.max(pnt, axis=-1, keepdims=True)
    i2 = jnp.min(jnp.where(pnt == g2, e_iota, E), axis=-1, keepdims=True)
    m2 = (e_iota == i2).astype(jnp.float32)

    denom = g1 + g2 + EPS_K
    g1n = g1 / denom
    g2n = g2 / denom

    r_io = lax.broadcasted_iota(jnp.int32, (BN, BN), 0)
    c_io = lax.broadcasted_iota(jnp.int32, (BN, BN), 1)
    tri = (c_io < r_io).astype(jnp.float32)

    ex1 = jnp.dot(tri, m1, preferred_element_type=jnp.float32) + carry1[...]
    pos1 = jnp.sum(ex1 * m1, axis=-1, keepdims=True)
    kept1 = pos1 < capf
    v1 = jnp.where(kept1, g1n, 0.0)
    t1 = jnp.where(kept1, i1 * cap + pos1.astype(jnp.int32), -1)

    ex2 = jnp.dot(tri, m2, preferred_element_type=jnp.float32) + carry2[...]
    p2 = jnp.sum(ex2 * m2, axis=-1, keepdims=True)

    carry1[...] = carry1[...] + jnp.sum(m1, axis=0, keepdims=True)
    carry2[...] = carry2[...] + jnp.sum(m2, axis=0, keepdims=True)
    cnt_s[bi] = cnt_s[bi] + jnp.sum(m1, axis=0, keepdims=True)
    prx_s[bi] = prx_s[bi] + jnp.sum(probs, axis=0, keepdims=True)

    t1_ref[...] = t1.reshape(1, 1, BN)
    v1_ref[...] = v1.reshape(1, 1, BN)
    i2_s[i] = i2.reshape(1, BN)
    p2_s[i] = p2.reshape(1, BN)
    g2_s[i] = g2n.reshape(1, BN)

    @pl.when(ni == nb - 1)
    def _finalize():
        cnt_b = jnp.minimum(cnt_s[bi], capf)
        for k in range(nb):
            i2k = i2_s[bi * nb + k].reshape(BN, 1)
            p2k = p2_s[bi * nb + k].reshape(BN, 1)
            g2k = g2_s[bi * nb + k].reshape(BN, 1)
            m2k = e_iota == i2k
            m1cnt = jnp.sum(jnp.where(m2k, cnt_b, 0.0), axis=-1,
                            keepdims=True)
            pos2 = p2k + m1cnt
            kept2 = pos2 < capf
            v2 = jnp.where(kept2, g2k, 0.0)
            t2 = jnp.where(kept2, i2k * cap + pos2.astype(jnp.int32), -1)
            t2_ref[0, k] = t2.reshape(1, BN)
            v2_ref[0, k] = v2.reshape(1, BN)

    @pl.when(i == pl.num_programs(0) - 1)
    def _loss():
        s = jnp.sum(cnt_s[...] * prx_s[...])
        scale = float(E * E) / (float(n_tok) * float(n_tok) * nbatch * E)
        loss_ref[...] = (s * scale).reshape(1, 1)


def _emit_sc_kernel(rows_per_w, cap, nc, t1_hbm, v1_hbm, t2_hbm, v2_hbm,
                    disp_hbm, comb_hbm, t1_ts, v1_ts, t2_ts, v2_ts,
                    disp_buf, comb_buf):
    E = NUM_GATES_K
    row_w = E * cap
    wid = lax.axis_index("s") * nc + lax.axis_index("c")
    base_row = wid * rows_per_w

    pltpu.sync_copy(t1_hbm.at[pl.ds(base_row, rows_per_w)], t1_ts)
    pltpu.sync_copy(v1_hbm.at[pl.ds(base_row, rows_per_w)], v1_ts)
    pltpu.sync_copy(t2_hbm.at[pl.ds(base_row, rows_per_w)], t2_ts)
    pltpu.sync_copy(v2_hbm.at[pl.ds(base_row, rows_per_w)], v2_ts)

    zeros = jnp.zeros((16,), jnp.float32)

    def _zero_body(k, carry):
        disp_buf[pl.ds(k * 16, 16)] = zeros
        comb_buf[pl.ds(k * 16, 16)] = zeros
        return carry

    lax.fori_loop(0, (CHUNK * row_w) // 16, _zero_body, 0)

    r_iota = lax.iota(jnp.int32, 16)
    ones = jnp.ones((16,), jnp.float32)

    for c in range(rows_per_w // CHUNK):
        off = c * CHUNK
        t1c = t1_ts[pl.ds(off, CHUNK)]
        v1c = v1_ts[pl.ds(off, CHUNK)]
        t2c = t2_ts[pl.ds(off, CHUNK)]
        v2c = v2_ts[pl.ds(off, CHUNK)]

        mask1 = t1c >= 0
        lidx1 = r_iota * row_w + jnp.maximum(t1c, 0)
        mask2 = t2c >= 0
        lidx2 = r_iota * row_w + jnp.maximum(t2c, 0)
        maskd2 = v2c > 0.0

        plsc.store_scatter(comb_buf, [lidx1], v1c, mask=mask1)
        plsc.store_scatter(comb_buf, [lidx2], v2c, mask=mask2)
        plsc.store_scatter(disp_buf, [lidx1], ones, mask=mask1)
        plsc.store_scatter(disp_buf, [lidx2], ones, mask=maskd2)

        gbase = (base_row + off) * row_w
        pltpu.sync_copy(disp_buf, disp_hbm.at[pl.ds(gbase, CHUNK * row_w)])
        pltpu.sync_copy(comb_buf, comb_hbm.at[pl.ds(gbase, CHUNK * row_w)])

        plsc.store_scatter(comb_buf, [lidx1], zeros, mask=mask1)
        plsc.store_scatter(comb_buf, [lidx2], zeros, mask=mask2)
        plsc.store_scatter(disp_buf, [lidx1], zeros, mask=mask1)
        plsc.store_scatter(disp_buf, [lidx2], zeros, mask=maskd2)


@jax.jit
def kernel(x, w_gating):
    b, n, d = x.shape
    E = NUM_GATES_K
    cap = max(min(n, int(n * 1.25 / E)), 4)
    nb = n // BN
    grid0 = b * nb

    tok_spec = pl.BlockSpec((1, 1, BN), lambda i: (i, 0, 0))
    row_spec = pl.BlockSpec((1, nb, 1, BN), lambda i, nb=nb: (i // nb, 0, 0, 0))

    outs = pl.pallas_call(
        functools.partial(_gate_kernel, nb, cap, n, b),
        grid=(grid0,),
        in_specs=[
            pl.BlockSpec((1, BN, d), lambda i, nb=nb: (i // nb, i % nb, 0)),
            pl.BlockSpec((d, E), lambda i: (0, 0)),
        ],
        out_specs=[tok_spec, tok_spec, row_spec, row_spec,
                   pl.BlockSpec((1, 1), lambda i: (0, 0))],
        out_shape=[
            jax.ShapeDtypeStruct((grid0, 1, BN), jnp.int32),
            jax.ShapeDtypeStruct((grid0, 1, BN), jnp.float32),
            jax.ShapeDtypeStruct((b, nb, 1, BN), jnp.int32),
            jax.ShapeDtypeStruct((b, nb, 1, BN), jnp.float32),
            jax.ShapeDtypeStruct((1, 1), jnp.float32),
        ],
        scratch_shapes=[pltpu.VMEM((grid0, 1, BN), jnp.int32),
                        pltpu.VMEM((grid0, 1, BN), jnp.float32),
                        pltpu.VMEM((grid0, 1, BN), jnp.float32),
                        pltpu.VMEM((b, 1, E), jnp.float32),
                        pltpu.VMEM((b, 1, E), jnp.float32),
                        pltpu.VMEM((1, E), jnp.float32),
                        pltpu.VMEM((1, E), jnp.float32)],
        interpret=_INTERPRET,
    )(x, w_gating)
    t1, v1, t2, v2, loss = outs

    tot = b * n
    t1 = t1.reshape(tot)
    v1 = v1.reshape(tot)
    t2 = t2.reshape(tot)
    v2 = v2.reshape(tot)

    info = plsc.get_sparse_core_info()
    nw = info.num_cores * info.num_subcores
    rows_per_w = tot // nw
    row_w = E * cap

    sc_emit = pl.kernel(
        functools.partial(_emit_sc_kernel, rows_per_w, cap, info.num_cores),
        mesh=plsc.VectorSubcoreMesh(core_axis_name="c", subcore_axis_name="s"),
        out_type=[
            jax.ShapeDtypeStruct((tot * row_w,), jnp.float32),
            jax.ShapeDtypeStruct((tot * row_w,), jnp.float32),
        ],
        scratch_types=[
            pltpu.VMEM((rows_per_w,), jnp.int32),
            pltpu.VMEM((rows_per_w,), jnp.float32),
            pltpu.VMEM((rows_per_w,), jnp.int32),
            pltpu.VMEM((rows_per_w,), jnp.float32),
            pltpu.VMEM((CHUNK * row_w,), jnp.float32),
            pltpu.VMEM((CHUNK * row_w,), jnp.float32),
        ],
        compiler_params=pltpu.CompilerParams(needs_layout_passes=False),
    )
    disp, comb = sc_emit(t1, v1, t2, v2)

    dispatch = disp.reshape(b, n, E, cap)
    combine = comb.reshape(b, n, E, cap)
    return dispatch, combine, loss.reshape(())

# --- scband reference (transcript-rebuilt; emitter-appended) ---
"""Pipeline reference for scband-top2-gating-498216206677 (READ-ONLY COPY).

The authoritative reference and input builder live on the scoring server;
editing this copy changes nothing except your own understanding.
"""

import jax, jax.numpy as jnp
import numpy as np

NUM_GATES = 64
EPS = 1e-09
CAP_FACTOR = 1.25
MIN_EXPERT_CAPACITY = 4
DIM = 4096


def _excl_cumsum(t):
    # exclusive cumsum along dim=-2 (matches torch cumsum_exclusive)
    return jnp.cumsum(t, axis=-2) - t


def setup_inputs(seed: int = 0) -> dict:
    key = jax.random.key(seed)
    k1, k2 = jax.random.split(key)
    x = jax.random.normal(k1, (2, 2048, DIM), dtype=jnp.float32)
    w_gating = jax.random.normal(k2, (DIM, NUM_GATES), dtype=jnp.float32)
    return {"x": x, "w_gating": w_gating}


def reference(x, w_gating):
    b, n, d = x.shape
    num_gates = NUM_GATES
    raw_gates = jnp.einsum('bnd,de->bne', x, w_gating)
    raw_gates = jax.nn.softmax(raw_gates, axis=-1)

    gate_1 = jnp.max(raw_gates, axis=-1)
    index_1 = jnp.argmax(raw_gates, axis=-1)
    mask_1 = jax.nn.one_hot(index_1, num_gates, dtype=jnp.float32)
    density_1_proxy = raw_gates

    gates_without_top_1 = raw_gates * (1.0 - mask_1)
    gate_2 = jnp.max(gates_without_top_1, axis=-1)
    index_2 = jnp.argmax(gates_without_top_1, axis=-1)
    mask_2 = jax.nn.one_hot(index_2, num_gates, dtype=jnp.float32)

    denom = gate_1 + gate_2 + EPS
    gate_1 = gate_1 / denom
    gate_2 = gate_2 / denom

    density_1 = mask_1.mean(axis=-2)
    density_1_proxy = density_1_proxy.mean(axis=-2)
    loss = (density_1_proxy * density_1).mean() * float(num_gates ** 2)

    # policy == 'all': keep mask_2 as is
    expert_capacity = min(n, int(n * CAP_FACTOR / num_gates))
    expert_capacity = max(expert_capacity, MIN_EXPERT_CAPACITY)
    expert_capacity_f = float(expert_capacity)

    position_in_expert_1 = _excl_cumsum(mask_1) * mask_1
    mask_1 = mask_1 * (position_in_expert_1 < expert_capacity_f).astype(jnp.float32)
    mask_1_count = mask_1.sum(axis=-2, keepdims=True)
    mask_1_flat = mask_1.sum(axis=-1)
    position_in_expert_1 = position_in_expert_1.sum(axis=-1)
    gate_1 = gate_1 * mask_1_flat

    position_in_expert_2 = _excl_cumsum(mask_2) + mask_1_count
    position_in_expert_2 = position_in_expert_2 * mask_2
    mask_2 = mask_2 * (position_in_expert_2 < expert_capacity_f).astype(jnp.float32)
    mask_2_flat = mask_2.sum(axis=-1)
    position_in_expert_2 = position_in_expert_2.sum(axis=-1)
    gate_2 = gate_2 * mask_2_flat

    # jax.nn.one_hot yields all-zeros for out-of-range indices, matching safe_one_hot+slice
    combine_tensor = (
        gate_1[..., None, None]
        * mask_1_flat[..., None, None]
        * jax.nn.one_hot(index_1, num_gates, dtype=jnp.float32)[..., None]
        * jax.nn.one_hot(position_in_expert_1.astype(jnp.int32), expert_capacity, dtype=jnp.float32)[..., None, :]
        + gate_2[..., None, None]
        * mask_2_flat[..., None, None]
        * jax.nn.one_hot(index_2, num_gates, dtype=jnp.float32)[..., None]
        * jax.nn.one_hot(position_in_expert_2.astype(jnp.int32), expert_capacity, dtype=jnp.float32)[..., None, :]
    )
    dispatch_tensor = combine_tensor.astype(bool).astype(combine_tensor.dtype)
    return dispatch_tensor, combine_tensor, loss

if __name__ == "__main__":
    import jax
    _d = setup_inputs()
    print(jax.jit(kernel)(*tuple(_d.values())))

</pallas_src>

<mosaic_0001>
#map = affine_map<(d0, d1) -> (0)>
module attributes {stable_mosaic.version = 14 : i64} {
  func.func @_emit_sc_kernel(%arg0: i32, %arg1: i32, %arg2: memref<4096xi32, #tpu.memory_space<hbm>>, %arg3: memref<4096xf32, #tpu.memory_space<hbm>>, %arg4: memref<4096xi32, #tpu.memory_space<hbm>>, %arg5: memref<4096xf32, #tpu.memory_space<hbm>>, %arg6: memref<10485760xf32, #tpu.memory_space<hbm>>, %arg7: memref<10485760xf32, #tpu.memory_space<hbm>>, %arg8: memref<128xi32, #tpu.memory_space<vmem>>, %arg9: memref<128xf32, #tpu.memory_space<vmem>>, %arg10: memref<128xi32, #tpu.memory_space<vmem>>, %arg11: memref<128xf32, #tpu.memory_space<vmem>>, %arg12: memref<40960xf32, #tpu.memory_space<vmem>>, %arg13: memref<40960xf32, #tpu.memory_space<vmem>>) attributes {dimension_semantics = [#tpu.dimension_semantics<core_parallel>, #tpu.dimension_semantics<subcore_parallel>], iteration_bounds = array<i64: 2, 16>, scalar_prefetch = 0 : i64, scratch_operands = 6 : i64, tpu.core_type = #tpu.core_type<sc_vector_subcore>, window_params = [{transform_indices = #map}, {transform_indices = #map}, {transform_indices = #map}, {transform_indices = #map}, {transform_indices = #map}, {transform_indices = #map}]} {
    %mul3A = arith.constant 2 : i32
    %mul3A_0 = arith.muli %arg1, %mul3A : i32
    %add3A = arith.addi %mul3A_0, %arg0 : i32
    %mul3A_1 = arith.constant 128 : i32
    %mul3A_2 = arith.muli %add3A, %mul3A_1 : i32
    "tpu.region"() ({
      %run_scoped3A = tpu.sem_alloc : memref<!tpu.dma_semaphore, #tpu.memory_space<semaphore_mem>>
      %dma_start3A = tpu.memref_slice %arg2[%mul3A_2] : memref<4096xi32, #tpu.memory_space<hbm>> -> memref<128xi32, #tpu.memory_space<hbm>>
      %dma_start3A_287 = tpu.memref_slice %arg2[%mul3A_2] : memref<4096xi32, #tpu.memory_space<hbm>> -> memref<128xi32, #tpu.memory_space<hbm>>
      tpu.enqueue_dma source(%dma_start3A_287 : memref<128xi32, #tpu.memory_space<hbm>>) target(%arg8 : memref<128xi32, #tpu.memory_space<vmem>>) target_semaphore(%run_scoped3A : memref<!tpu.dma_semaphore, #tpu.memory_space<semaphore_mem>>)
      %dma_wait3A = tpu.memref_slice %arg2[%mul3A_2] : memref<4096xi32, #tpu.memory_space<hbm>> -> memref<128xi32, #tpu.memory_space<hbm>>
      %dma_wait3A_288 = tpu.memref_slice %arg2[%mul3A_2] : memref<4096xi32, #tpu.memory_space<hbm>> -> memref<128xi32, #tpu.memory_space<hbm>>
      tpu.wait_dma2 semaphore(%run_scoped3A : memref<!tpu.dma_semaphore, #tpu.memory_space<semaphore_mem>>) src(%dma_wait3A_288 : memref<128xi32, #tpu.memory_space<hbm>>) dst(%arg8 : memref<128xi32, #tpu.memory_space<vmem>>)
      tpu.yield
    }) : () -> ()
    "tpu.region"() ({
      %run_scoped3A = tpu.sem_alloc : memref<!tpu.dma_semaphore, #tpu.memory_space<semaphore_mem>>
      %dma_start3A = tpu.memref_slice %arg3[%mul3A_2] : memref<4096xf32, #tpu.memory_space<hbm>> -> memref<128xf32, #tpu.memory_space<hbm>>
      %dma_start3A_287 = tpu.memref_slice %arg3[%mul3A_2] : memref<4096xf32, #tpu.memory_space<hbm>> -> memref<128xf32, #tpu.memory_space<hbm>>
      tpu.enqueue_dma source(%dma_start3A_287 : memref<128xf32, #tpu.memory_space<hbm>>) target(%arg9 : memref<128xf32, #tpu.memory_space<vmem>>) target_semaphore(%run_scoped3A : memref<!tpu.dma_semaphore, #tpu.memory_space<semaphore_mem>>)
      %dma_wait3A = tpu.memref_slice %arg3[%mul3A_2] : memref<4096xf32, #tpu.memory_space<hbm>> -> memref<128xf32, #tpu.memory_space<hbm>>
      %dma_wait3A_288 = tpu.memref_slice %arg3[%mul3A_2] : memref<4096xf32, #tpu.memory_space<hbm>> -> memref<128xf32, #tpu.memory_space<hbm>>
      tpu.wait_dma2 semaphore(%run_scoped3A : memref<!tpu.dma_semaphore, #tpu.memory_space<semaphore_mem>>) src(%dma_wait3A_288 : memref<128xf32, #tpu.memory_space<hbm>>) dst(%arg9 : memref<128xf32, #tpu.memory_space<vmem>>)
      tpu.yield
    }) : () -> ()
    "tpu.region"() ({
      %run_scoped3A = tpu.sem_alloc : memref<!tpu.dma_semaphore, #tpu.memory_space<semaphore_mem>>
      %dma_start3A = tpu.memref_slice %arg4[%mul3A_2] : memref<4096xi32, #tpu.memory_space<hbm>> -> memref<128xi32, #tpu.memory_space<hbm>>
      %dma_start3A_287 = tpu.memref_slice %arg4[%mul3A_2] : memref<4096xi32, #tpu.memory_space<hbm>> -> memref<128xi32, #tpu.memory_space<hbm>>
      tpu.enqueue_dma source(%dma_start3A_287 : memref<128xi32, #tpu.memory_space<hbm>>) target(%arg10 : memref<128xi32, #tpu.memory_space<vmem>>) target_semaphore(%run_scoped3A : memref<!tpu.dma_semaphore, #tpu.memory_space<semaphore_mem>>)
      %dma_wait3A = tpu.memref_slice %arg4[%mul3A_2] : memref<4096xi32, #tpu.memory_space<hbm>> -> memref<128xi32, #tpu.memory_space<hbm>>
      %dma_wait3A_288 = tpu.memref_slice %arg4[%mul3A_2] : memref<4096xi32, #tpu.memory_space<hbm>> -> memref<128xi32, #tpu.memory_space<hbm>>
      tpu.wait_dma2 semaphore(%run_scoped3A : memref<!tpu.dma_semaphore, #tpu.memory_space<semaphore_mem>>) src(%dma_wait3A_288 : memref<128xi32, #tpu.memory_space<hbm>>) dst(%arg10 : memref<128xi32, #tpu.memory_space<vmem>>)
      tpu.yield
    }) : () -> ()
    "tpu.region"() ({
      %run_scoped3A = tpu.sem_alloc : memref<!tpu.dma_semaphore, #tpu.memory_space<semaphore_mem>>
      %dma_start3A = tpu.memref_slice %arg5[%mul3A_2] : memref<4096xf32, #tpu.memory_space<hbm>> -> memref<128xf32, #tpu.memory_space<hbm>>
      %dma_start3A_287 = tpu.memref_slice %arg5[%mul3A_2] : memref<4096xf32, #tpu.memory_space<hbm>> -> memref<128xf32, #tpu.memory_space<hbm>>
      tpu.enqueue_dma source(%dma_start3A_287 : memref<128xf32, #tpu.memory_space<hbm>>) target(%arg11 : memref<128xf32, #tpu.memory_space<vmem>>) target_semaphore(%run_scoped3A : memref<!tpu.dma_semaphore, #tpu.memory_space<semaphore_mem>>)
      %dma_wait3A = tpu.memref_slice %arg5[%mul3A_2] : memref<4096xf32, #tpu.memory_space<hbm>> -> memref<128xf32, #tpu.memory_space<hbm>>
      %dma_wait3A_288 = tpu.memref_slice %arg5[%mul3A_2] : memref<4096xf32, #tpu.memory_space<hbm>> -> memref<128xf32, #tpu.memory_space<hbm>>
      tpu.wait_dma2 semaphore(%run_scoped3A : memref<!tpu.dma_semaphore, #tpu.memory_space<semaphore_mem>>) src(%dma_wait3A_288 : memref<128xf32, #tpu.memory_space<hbm>>) dst(%arg11 : memref<128xf32, #tpu.memory_space<vmem>>)
      tpu.yield
    }) : () -> ()
    %broadcast_in_dim3A = arith.constant 0.000000e+00 : f32
    %broadcast_in_dim3A_3 = vector.broadcast %broadcast_in_dim3A : f32 to vector<16xf32>
    %scan3A = arith.constant 0 : i32
    %scan3A_4 = arith.constant 0 : i32
    %scan3A_5 = arith.constant 2560 : i32
    %scan3A_6 = arith.addi %scan3A_4, %scan3A_5 : i32
    %scan3A_7 = arith.constant 1 : i32
    scf.for %scan3A_287 = %scan3A_4 to %scan3A_6 step %scan3A_7  : i32 {
      %mul3A_288 = arith.constant 16 : i32
      %mul3A_289 = arith.muli %scan3A_287, %mul3A_288 : i32
      %swap3A = arith.index_cast %mul3A_289 : i32 to index
      %swap3A_290 = tpu.vector_load %arg12[%swap3A] {strides = array<i32>} : memref<40960xf32, #tpu.memory_space<vmem>>, vector<16xf32>,
      tpu.vector_store %arg12[%swap3A], %broadcast_in_dim3A_3 {strides = array<i32>} : memref<40960xf32, #tpu.memory_space<vmem>>, vector<16xf32>,
      %mul3A_291 = arith.constant 16 : i32
      %mul3A_292 = arith.muli %scan3A_287, %mul3A_291 : i32
      %swap3A_293 = arith.index_cast %mul3A_292 : i32 to index
      %swap3A_294 = tpu.vector_load %arg13[%swap3A_293] {strides = array<i32>} : memref<40960xf32, #tpu.memory_space<vmem>>, vector<16xf32>,
      tpu.vector_store %arg13[%swap3A_293], %broadcast_in_dim3A_3 {strides = array<i32>} : memref<40960xf32, #tpu.memory_space<vmem>>, vector<16xf32>,
    }
    %scan3A_8 = arith.constant 2560 : i32
    %iota3A = tpu.iota {dimensions = array<i32: 0>} : vector<16xi32>
    %broadcast_in_dim3A_9 = arith.constant 1.000000e+00 : f32
    %broadcast_in_dim3A_10 = vector.broadcast %broadcast_in_dim3A_9 : f32 to vector<16xf32>
    %get3A = arith.constant 0 : index
    %get3A_11 = tpu.vector_load %arg8[%get3A] {strides = array<i32>} : memref<128xi32, #tpu.memory_space<vmem>>, vector<16xi32>,
    %get3A_12 = arith.constant 0 : index
    %get3A_13 = tpu.vector_load %arg9[%get3A_12] {strides = array<i32>} : memref<128xf32, #tpu.memory_space<vmem>>, vector<16xf32>,
    %get3A_14 = arith.constant 0 : index
    %get3A_15 = tpu.vector_load %arg10[%get3A_14] {strides = array<i32>} : memref<128xi32, #tpu.memory_space<vmem>>, vector<16xi32>,
    %get3A_16 = arith.constant 0 : index
    %get3A_17 = tpu.vector_load %arg11[%get3A_16] {strides = array<i32>} : memref<128xf32, #tpu.memory_space<vmem>>, vector<16xf32>,
    %ge3A = arith.constant 0 : i32
    %ge3A_18 = vector.broadcast %ge3A : i32 to vector<16xi32>
    %ge3A_19 = arith.cmpi sge, %get3A_11, %ge3A_18 : vector<16xi32>
    %mul3A_20 = arith.constant 2560 : i32
    %mul3A_21 = vector.broadcast %mul3A_20 : i32 to vector<16xi32>
    %mul3A_22 = arith.muli %iota3A, %mul3A_21 : vector<16xi32>
    %max3A = arith.constant 0 : i32
    %max3A_23 = vector.broadcast %max3A : i32 to vector<16xi32>
    %max3A_24 = arith.maxsi %get3A_11, %max3A_23 : vector<16xi32>
    %add3A_25 = arith.addi %mul3A_22, %max3A_24 : vector<16xi32>
    %ge3A_26 = arith.constant 0 : i32
    %ge3A_27 = vector.broadcast %ge3A_26 : i32 to vector<16xi32>
    %ge3A_28 = arith.cmpi sge, %get3A_15, %ge3A_27 : vector<16xi32>
    %mul3A_29 = arith.constant 2560 : i32
    %mul3A_30 = vector.broadcast %mul3A_29 : i32 to vector<16xi32>
    %mul3A_31 = arith.muli %iota3A, %mul3A_30 : vector<16xi32>
    %max3A_32 = arith.constant 0 : i32
    %max3A_33 = vector.broadcast %max3A_32 : i32 to vector<16xi32>
    %max3A_34 = arith.maxsi %get3A_15, %max3A_33 : vector<16xi32>
    %add3A_35 = arith.addi %mul3A_31, %max3A_34 : vector<16xi32>
    %gt3A = arith.constant 0.000000e+00 : f32
    %gt3A_36 = vector.broadcast %gt3A : f32 to vector<16xf32>
    %gt3A_37 = arith.cmpf ogt, %get3A_17, %gt3A_36 : vector<16xf32>
    tpu.vector_store_idx %arg13[%add3A_25], %get3A_13 masked %ge3A_19 : memref<40960xf32, #tpu.memory_space<vmem>>[vector<16xi32>], vector<16xf32>, vector<16xi1>
    tpu.vector_store_idx %arg13[%add3A_35], %get3A_17 masked %ge3A_28 : memref<40960xf32, #tpu.memory_space<vmem>>[vector<16xi32>], vector<16xf32>, vector<16xi1>
    tpu.vector_store_idx %arg12[%add3A_25], %broadcast_in_dim3A_10 masked %ge3A_19 : memref<40960xf32, #tpu.memory_space<vmem>>[vector<16xi32>], vector<16xf32>, vector<16xi1>
    tpu.vector_store_idx %arg12[%add3A_35], %broadcast_in_dim3A_10 masked %gt3A_37 : memref<40960xf32, #tpu.memory_space<vmem>>[vector<16xi32>], vector<16xf32>, vector<16xi1>
    %add3A_38 = arith.constant 0 : i32
    %add3A_39 = arith.addi %mul3A_2, %add3A_38 : i32
    %mul3A_40 = arith.constant 2560 : i32
    %mul3A_41 = arith.muli %add3A_39, %mul3A_40 : i32
    "tpu.region"() ({
      %run_scoped3A = tpu.sem_alloc : memref<!tpu.dma_semaphore, #tpu.memory_space<semaphore_mem>>
      %dma_start3A = tpu.memref_slice %arg6[%mul3A_41] : memref<10485760xf32, #tpu.memory_space<hbm>> -> memref<40960xf32, #tpu.memory_space<hbm>>
      %dma_start3A_287 = tpu.memref_slice %arg6[%mul3A_41] : memref<10485760xf32, #tpu.memory_space<hbm>> -> memref<40960xf32, #tpu.memory_space<hbm>>
      tpu.enqueue_dma source(%arg12 : memref<40960xf32, #tpu.memory_space<vmem>>) target(%dma_start3A_287 : memref<40960xf32, #tpu.memory_space<hbm>>) target_semaphore(%run_scoped3A : memref<!tpu.dma_semaphore, #tpu.memory_space<semaphore_mem>>)
      %dma_wait3A = tpu.memref_slice %arg6[%mul3A_41] : memref<10485760xf32, #tpu.memory_space<hbm>> -> memref<40960xf32, #tpu.memory_space<hbm>>
      %dma_wait3A_288 = tpu.memref_slice %arg6[%mul3A_41] : memref<10485760xf32, #tpu.memory_space<hbm>> -> memref<40960xf32, #tpu.memory_space<hbm>>
      tpu.wait_dma2 semaphore(%run_scoped3A : memref<!tpu.dma_semaphore, #tpu.memory_space<semaphore_mem>>) src(%arg12 : memref<40960xf32, #tpu.memory_space<vmem>>) dst(%dma_wait3A_288 : memref<40960xf32, #tpu.memory_space<hbm>>)
      tpu.yield
    }) : () -> ()
    "tpu.region"() ({
      %run_scoped3A = tpu.sem_alloc : memref<!tpu.dma_semaphore, #tpu.memory_space<semaphore_mem>>
      %dma_start3A = tpu.memref_slice %arg7[%mul3A_41] : memref<10485760xf32, #tpu.memory_space<hbm>> -> memref<40960xf32, #tpu.memory_space<hbm>>
      %dma_start3A_287 = tpu.memref_slice %arg7[%mul3A_41] : memref<10485760xf32, #tpu.memory_space<hbm>> -> memref<40960xf32, #tpu.memory_space<hbm>>
      tpu.enqueue_dma source(%arg13 : memref<40960xf32, #tpu.memory_space<vmem>>) target(%dma_start3A_287 : memref<40960xf32, #tpu.memory_space<hbm>>) target_semaphore(%run_scoped3A : memref<!tpu.dma_semaphore, #tpu.memory_space<semaphore_mem>>)
      %dma_wait3A = tpu.memref_slice %arg7[%mul3A_41] : memref<10485760xf32, #tpu.memory_space<hbm>> -> memref<40960xf32, #tpu.memory_space<hbm>>
      %dma_wait3A_288 = tpu.memref_slice %arg7[%mul3A_41] : memref<10485760xf32, #tpu.memory_space<hbm>> -> memref<40960xf32, #tpu.memory_space<hbm>>
      tpu.wait_dma2 semaphore(%run_scoped3A : memref<!tpu.dma_semaphore, #tpu.memory_space<semaphore_mem>>) src(%arg13 : memref<40960xf32, #tpu.memory_space<vmem>>) dst(%dma_wait3A_288 : memref<40960xf32, #tpu.memory_space<hbm>>)
      tpu.yield
    }) : () -> ()
    tpu.vector_store_idx %arg13[%add3A_25], %broadcast_in_dim3A_3 masked %ge3A_19 : memref<40960xf32, #tpu.memory_space<vmem>>[vector<16xi32>], vector<16xf32>, vector<16xi1>
    tpu.vector_store_idx %arg13[%add3A_35], %broadcast_in_dim3A_3 masked %ge3A_28 : memref<40960xf32, #tpu.memory_space<vmem>>[vector<16xi32>], vector<16xf32>, vector<16xi1>
    tpu.vector_store_idx %arg12[%add3A_25], %broadcast_in_dim3A_3 masked %ge3A_19 : memref<40960xf32, #tpu.memory_space<vmem>>[vector<16xi32>], vector<16xf32>, vector<16xi1>
    tpu.vector_store_idx %arg12[%add3A_35], %broadcast_in_dim3A_3 masked %gt3A_37 : memref<40960xf32, #tpu.memory_space<vmem>>[vector<16xi32>], vector<16xf32>, vector<16xi1>
    %get3A_42 = arith.constant 16 : index
    %get3A_43 = tpu.vector_load %arg8[%get3A_42] {strides = array<i32>} : memref<128xi32, #tpu.memory_space<vmem>>, vector<16xi32>,
    %get3A_44 = arith.constant 16 : index
    %get3A_45 = tpu.vector_load %arg9[%get3A_44] {strides = array<i32>} : memref<128xf32, #tpu.memory_space<vmem>>, vector<16xf32>,
    %get3A_46 = arith.constant 16 : index
    %get3A_47 = tpu.vector_load %arg10[%get3A_46] {strides = array<i32>} : memref<128xi32, #tpu.memory_space<vmem>>, vector<16xi32>,
    %get3A_48 = arith.constant 16 : index
    %get3A_49 = tpu.vector_load %arg11[%get3A_48] {strides = array<i32>} : memref<128xf32, #tpu.memory_space<vmem>>, vector<16xf32>,
    %ge3A_50 = arith.constant 0 : i32
    %ge3A_51 = vector.broadcast %ge3A_50 : i32 to vector<16xi32>
    %ge3A_52 = arith.cmpi sge, %get3A_43, %ge3A_51 : vector<16xi32>
    %mul3A_53 = arith.constant 2560 : i32
    %mul3A_54 = vector.broadcast %mul3A_53 : i32 to vector<16xi32>
    %mul3A_55 = arith.muli %iota3A, %mul3A_54 : vector<16xi32>
    %max3A_56 = arith.constant 0 : i32
    %max3A_57 = vector.broadcast %max3A_56 : i32 to vector<16xi32>
    %max3A_58 = arith.maxsi %get3A_43, %max3A_57 : vector<16xi32>
    %add3A_59 = arith.addi %mul3A_55, %max3A_58 : vector<16xi32>
    %ge3A_60 = arith.constant 0 : i32
    %ge3A_61 = vector.broadcast %ge3A_60 : i32 to vector<16xi32>
    %ge3A_62 = arith.cmpi sge, %get3A_47, %ge3A_61 : vector<16xi32>
    %mul3A_63 = arith.constant 2560 : i32
    %mul3A_64 = vector.broadcast %mul3A_63 : i32 to vector<16xi32>
    %mul3A_65 = arith.muli %iota3A, %mul3A_64 : vector<16xi32>
    %max3A_66 = arith.constant 0 : i32
    %max3A_67 = vector.broadcast %max3A_66 : i32 to vector<16xi32>
    %max3A_68 = arith.maxsi %get3A_47, %max3A_67 : vector<16xi32>
    %add3A_69 = arith.addi %mul3A_65, %max3A_68 : vector<16xi32>
    %gt3A_70 = arith.constant 0.000000e+00 : f32
    %gt3A_71 = vector.broadcast %gt3A_70 : f32 to vector<16xf32>
    %gt3A_72 = arith.cmpf ogt, %get3A_49, %gt3A_71 : vector<16xf32>
    tpu.vector_store_idx %arg13[%add3A_59], %get3A_45 masked %ge3A_52 : memref<40960xf32, #tpu.memory_space<vmem>>[vector<16xi32>], vector<16xf32>, vector<16xi1>
    tpu.vector_store_idx %arg13[%add3A_69], %get3A_49 masked %ge3A_62 : memref<40960xf32, #tpu.memory_space<vmem>>[vector<16xi32>], vector<16xf32>, vector<16xi1>
    tpu.vector_store_idx %arg12[%add3A_59], %broadcast_in_dim3A_10 masked %ge3A_52 : memref<40960xf32, #tpu.memory_space<vmem>>[vector<16xi32>], vector<16xf32>, vector<16xi1>
    tpu.vector_store_idx %arg12[%add3A_69], %broadcast_in_dim3A_10 masked %gt3A_72 : memref<40960xf32, #tpu.memory_space<vmem>>[vector<16xi32>], vector<16xf32>, vector<16xi1>
    %add3A_73 = arith.constant 16 : i32
    %add3A_74 = arith.addi %mul3A_2, %add3A_73 : i32
    %mul3A_75 = arith.constant 2560 : i32
    %mul3A_76 = arith.muli %add3A_74, %mul3A_75 : i32
    "tpu.region"() ({
      %run_scoped3A = tpu.sem_alloc : memref<!tpu.dma_semaphore, #tpu.memory_space<semaphore_mem>>
      %dma_start3A = tpu.memref_slice %arg6[%mul3A_76] : memref<10485760xf32, #tpu.memory_space<hbm>> -> memref<40960xf32, #tpu.memory_space<hbm>>
      %dma_start3A_287 = tpu.memref_slice %arg6[%mul3A_76] : memref<10485760xf32, #tpu.memory_space<hbm>> -> memref<40960xf32, #tpu.memory_space<hbm>>
      tpu.enqueue_dma source(%arg12 : memref<40960xf32, #tpu.memory_space<vmem>>) target(%dma_start3A_287 : memref<40960xf32, #tpu.memory_space<hbm>>) target_semaphore(%run_scoped3A : memref<!tpu.dma_semaphore, #tpu.memory_space<semaphore_mem>>)
      %dma_wait3A = tpu.memref_slice %arg6[%mul3A_76] : memref<10485760xf32, #tpu.memory_space<hbm>> -> memref<40960xf32, #tpu.memory_space<hbm>>
      %dma_wait3A_288 = tpu.memref_slice %arg6[%mul3A_76] : memref<10485760xf32, #tpu.memory_space<hbm>> -> memref<40960xf32, #tpu.memory_space<hbm>>
      tpu.wait_dma2 semaphore(%run_scoped3A : memref<!tpu.dma_semaphore, #tpu.memory_space<semaphore_mem>>) src(%arg12 : memref<40960xf32, #tpu.memory_space<vmem>>) dst(%dma_wait3A_288 : memref<40960xf32, #tpu.memory_space<hbm>>)
      tpu.yield
    }) : () -> ()
    "tpu.region"() ({
      %run_scoped3A = tpu.sem_alloc : memref<!tpu.dma_semaphore, #tpu.memory_space<semaphore_mem>>
      %dma_start3A = tpu.memref_slice %arg7[%mul3A_76] : memref<10485760xf32, #tpu.memory_space<hbm>> -> memref<40960xf32, #tpu.memory_space<hbm>>
      %dma_start3A_287 = tpu.memref_slice %arg7[%mul3A_76] : memref<10485760xf32, #tpu.memory_space<hbm>> -> memref<40960xf32, #tpu.memory_space<hbm>>
      tpu.enqueue_dma source(%arg13 : memref<40960xf32, #tpu.memory_space<vmem>>) target(%dma_start3A_287 : memref<40960xf32, #tpu.memory_space<hbm>>) target_semaphore(%run_scoped3A : memref<!tpu.dma_semaphore, #tpu.memory_space<semaphore_mem>>)
      %dma_wait3A = tpu.memref_slice %arg7[%mul3A_76] : memref<10485760xf32, #tpu.memory_space<hbm>> -> memref<40960xf32, #tpu.memory_space<hbm>>
      %dma_wait3A_288 = tpu.memref_slice %arg7[%mul3A_76] : memref<10485760xf32, #tpu.memory_space<hbm>> -> memref<40960xf32, #tpu.memory_space<hbm>>
      tpu.wait_dma2 semaphore(%run_scoped3A : memref<!tpu.dma_semaphore, #tpu.memory_space<semaphore_mem>>) src(%arg13 : memref<40960xf32, #tpu.memory_space<vmem>>) dst(%dma_wait3A_288 : memref<40960xf32, #tpu.memory_space<hbm>>)
      tpu.yield
    }) : () -> ()
    tpu.vector_store_idx %arg13[%add3A_59], %broadcast_in_dim3A_3 masked %ge3A_52 : memref<40960xf32, #tpu.memory_space<vmem>>[vector<16xi32>], vector<16xf32>, vector<16xi1>
    tpu.vector_store_idx %arg13[%add3A_69], %broadcast_in_dim3A_3 masked %ge3A_62 : memref<40960xf32, #tpu.memory_space<vmem>>[vector<16xi32>], vector<16xf32>, vector<16xi1>
    tpu.vector_store_idx %arg12[%add3A_59], %broadcast_in_dim3A_3 masked %ge3A_52 : memref<40960xf32, #tpu.memory_space<vmem>>[vector<16xi32>], vector<16xf32>, vector<16xi1>
    tpu.vector_store_idx %arg12[%add3A_69], %broadcast_in_dim3A_3 masked %gt3A_72 : memref<40960xf32, #tpu.memory_space<vmem>>[vector<16xi32>], vector<16xf32>, vector<16xi1>
    %get3A_77 = arith.constant 32 : index
    %get3A_78 = tpu.vector_load %arg8[%get3A_77] {strides = array<i32>} : memref<128xi32, #tpu.memory_space<vmem>>, vector<16xi32>,
    %get3A_79 = arith.constant 32 : index
    %get3A_80 = tpu.vector_load %arg9[%get3A_79] {strides = array<i32>} : memref<128xf32, #tpu.memory_space<vmem>>, vector<16xf32>,
    %get3A_81 = arith.constant 32 : index
    %get3A_82 = tpu.vector_load %arg10[%get3A_81] {strides = array<i32>} : memref<128xi32, #tpu.memory_space<vmem>>, vector<16xi32>,
    %get3A_83 = arith.constant 32 : index
    %get3A_84 = tpu.vector_load %arg11[%get3A_83] {strides = array<i32>} : memref<128xf32, #tpu.memory_space<vmem>>, vector<16xf32>,
    %ge3A_85 = arith.constant 0 : i32
    %ge3A_86 = vector.broadcast %ge3A_85 : i32 to vector<16xi32>
    %ge3A_87 = arith.cmpi sge, %get3A_78, %ge3A_86 : vector<16xi32>
    %mul3A_88 = arith.constant 2560 : i32
    %mul3A_89 = vector.broadcast %mul3A_88 : i32 to vector<16xi32>
    %mul3A_90 = arith.muli %iota3A, %mul3A_89 : vector<16xi32>
    %max3A_91 = arith.constant 0 : i32
    %max3A_92 = vector.broadcast %max3A_91 : i32 to vector<16xi32>
    %max3A_93 = arith.maxsi %get3A_78, %max3A_92 : vector<16xi32>
    %add3A_94 = arith.addi %mul3A_90, %max3A_93 : vector<16xi32>
    %ge3A_95 = arith.constant 0 : i32
    %ge3A_96 = vector.broadcast %ge3A_95 : i32 to vector<16xi32>
    %ge3A_97 = arith.cmpi sge, %get3A_82, %ge3A_96 : vector<16xi32>
    %mul3A_98 = arith.constant 2560 : i32
    %mul3A_99 = vector.broadcast %mul3A_98 : i32 to vector<16xi32>
    %mul3A_100 = arith.muli %iota3A, %mul3A_99 : vector<16xi32>
    %max3A_101 = arith.constant 0 : i32
    %max3A_102 = vector.broadcast %max3A_101 : i32 to vector<16xi32>
    %max3A_103 = arith.maxsi %get3A_82, %max3A_102 : vector<16xi32>
    %add3A_104 = arith.addi %mul3A_100, %max3A_103 : vector<16xi32>
    %gt3A_105 = arith.constant 0.000000e+00 : f32
    %gt3A_106 = vector.broadcast %gt3A_105 : f32 to vector<16xf32>
    %gt3A_107 = arith.cmpf ogt, %get3A_84, %gt3A_106 : vector<16xf32>
    tpu.vector_store_idx %arg13[%add3A_94], %get3A_80 masked %ge3A_87 : memref<40960xf32, #tpu.memory_space<vmem>>[vector<16xi32>], vector<16xf32>, vector<16xi1>
    tpu.vector_store_idx %arg13[%add3A_104], %get3A_84 masked %ge3A_97 : memref<40960xf32, #tpu.memory_space<vmem>>[vector<16xi32>], vector<16xf32>, vector<16xi1>
    tpu.vector_store_idx %arg12[%add3A_94], %broadcast_in_dim3A_10 masked %ge3A_87 : memref<40960xf32, #tpu.memory_space<vmem>>[vector<16xi32>], vector<16xf32>, vector<16xi1>
    tpu.vector_store_idx %arg12[%add3A_104], %broadcast_in_dim3A_10 masked %gt3A_107 : memref<40960xf32, #tpu.memory_space<vmem>>[vector<16xi32>], vector<16xf32>, vector<16xi1>
    %add3A_108 = arith.constant 32 : i32
    %add3A_109 = arith.addi %mul3A_2, %add3A_108 : i32
    %mul3A_110 = arith.constant 2560 : i32
    %mul3A_111 = arith.muli %add3A_109, %mul3A_110 : i32
    "tpu.region"() ({
      %run_scoped3A = tpu.sem_alloc : memref<!tpu.dma_semaphore, #tpu.memory_space<semaphore_mem>>
      %dma_start3A = tpu.memref_slice %arg6[%mul3A_111] : memref<10485760xf32, #tpu.memory_space<hbm>> -> memref<40960xf32, #tpu.memory_space<hbm>>
      %dma_start3A_287 = tpu.memref_slice %arg6[%mul3A_111] : memref<10485760xf32, #tpu.memory_space<hbm>> -> memref<40960xf32, #tpu.memory_space<hbm>>
      tpu.enqueue_dma source(%arg12 : memref<40960xf32, #tpu.memory_space<vmem>>) target(%dma_start3A_287 : memref<40960xf32, #tpu.memory_space<hbm>>) target_semaphore(%run_scoped3A : memref<!tpu.dma_semaphore, #tpu.memory_space<semaphore_mem>>)
      %dma_wait3A = tpu.memref_slice %arg6[%mul3A_111] : memref<10485760xf32, #tpu.memory_space<hbm>> -> memref<40960xf32, #tpu.memory_space<hbm>>
      %dma_wait3A_288 = tpu.memref_slice %arg6[%mul3A_111] : memref<10485760xf32, #tpu.memory_space<hbm>> -> memref<40960xf32, #tpu.memory_space<hbm>>
      tpu.wait_dma2 semaphore(%run_scoped3A : memref<!tpu.dma_semaphore, #tpu.memory_space<semaphore_mem>>) src(%arg12 : memref<40960xf32, #tpu.memory_space<vmem>>) dst(%dma_wait3A_288 : memref<40960xf32, #tpu.memory_space<hbm>>)
      tpu.yield
    }) : () -> ()
    "tpu.region"() ({
      %run_scoped3A = tpu.sem_alloc : memref<!tpu.dma_semaphore, #tpu.memory_space<semaphore_mem>>
      %dma_start3A = tpu.memref_slice %arg7[%mul3A_111] : memref<10485760xf32, #tpu.memory_space<hbm>> -> memref<40960xf32, #tpu.memory_space<hbm>>
      %dma_start3A_287 = tpu.memref_slice %arg7[%mul3A_111] : memref<10485760xf32, #tpu.memory_space<hbm>> -> memref<40960xf32, #tpu.memory_space<hbm>>
      tpu.enqueue_dma source(%arg13 : memref<40960xf32, #tpu.memory_space<vmem>>) target(%dma_start3A_287 : memref<40960xf32, #tpu.memory_space<hbm>>) target_semaphore(%run_scoped3A : memref<!tpu.dma_semaphore, #tpu.memory_space<semaphore_mem>>)
      %dma_wait3A = tpu.memref_slice %arg7[%mul3A_111] : memref<10485760xf32, #tpu.memory_space<hbm>> -> memref<40960xf32, #tpu.memory_space<hbm>>
      %dma_wait3A_288 = tpu.memref_slice %arg7[%mul3A_111] : memref<10485760xf32, #tpu.memory_space<hbm>> -> memref<40960xf32, #tpu.memory_space<hbm>>
      tpu.wait_dma2 semaphore(%run_scoped3A : memref<!tpu.dma_semaphore, #tpu.memory_space<semaphore_mem>>) src(%arg13 : memref<40960xf32, #tpu.memory_space<vmem>>) dst(%dma_wait3A_288 : memref<40960xf32, #tpu.memory_space<hbm>>)
      tpu.yield
    }) : () -> ()
    tpu.vector_store_idx %arg13[%add3A_94], %broadcast_in_dim3A_3 masked %ge3A_87 : memref<40960xf32, #tpu.memory_space<vmem>>[vector<16xi32>], vector<16xf32>, vector<16xi1>
    tpu.vector_store_idx %arg13[%add3A_104], %broadcast_in_dim3A_3 masked %ge3A_97 : memref<40960xf32, #tpu.memory_space<vmem>>[vector<16xi32>], vector<16xf32>, vector<16xi1>
    tpu.vector_store_idx %arg12[%add3A_94], %broadcast_in_dim3A_3 masked %ge3A_87 : memref<40960xf32, #tpu.memory_space<vmem>>[vector<16xi32>], vector<16xf32>, vector<16xi1>
    tpu.vector_store_idx %arg12[%add3A_104], %broadcast_in_dim3A_3 masked %gt3A_107 : memref<40960xf32, #tpu.memory_space<vmem>>[vector<16xi32>], vector<16xf32>, vector<16xi1>
    %get3A_112 = arith.constant 48 : index
    %get3A_113 = tpu.vector_load %arg8[%get3A_112] {strides = array<i32>} : memref<128xi32, #tpu.memory_space<vmem>>, vector<16xi32>,
    %get3A_114 = arith.constant 48 : index
    %get3A_115 = tpu.vector_load %arg9[%get3A_114] {strides = array<i32>} : memref<128xf32, #tpu.memory_space<vmem>>, vector<16xf32>,
    %get3A_116 = arith.constant 48 : index
    %get3A_117 = tpu.vector_load %arg10[%get3A_116] {strides = array<i32>} : memref<128xi32, #tpu.memory_space<vmem>>, vector<16xi32>,
    %get3A_118 = arith.constant 48 : index
    %get3A_119 = tpu.vector_load %arg11[%get3A_118] {strides = array<i32>} : memref<128xf32, #tpu.memory_space<vmem>>, vector<16xf32>,
    %ge3A_120 = arith.constant 0 : i32
    %ge3A_121 = vector.broadcast %ge3A_120 : i32 to vector<16xi32>
    %ge3A_122 = arith.cmpi sge, %get3A_113, %ge3A_121 : vector<16xi32>
    %mul3A_123 = arith.constant 2560 : i32
    %mul3A_124 = vector.broadcast %mul3A_123 : i32 to vector<16xi32>
    %mul3A_125 = arith.muli %iota3A, %mul3A_124 : vector<16xi32>
    %max3A_126 = arith.constant 0 : i32
    %max3A_127 = vector.broadcast %max3A_126 : i32 to vector<16xi32>
    %max3A_128 = arith.maxsi %get3A_113, %max3A_127 : vector<16xi32>
    %add3A_129 = arith.addi %mul3A_125, %max3A_128 : vector<16xi32>
    %ge3A_130 = arith.constant 0 : i32
    %ge3A_131 = vector.broadcast %ge3A_130 : i32 to vector<16xi32>
    %ge3A_132 = arith.cmpi sge, %get3A_117, %ge3A_131 : vector<16xi32>
    %mul3A_133 = arith.constant 2560 : i32
    %mul3A_134 = vector.broadcast %mul3A_133 : i32 to vector<16xi32>
    %mul3A_135 = arith.muli %iota3A, %mul3A_134 : vector<16xi32>
    %max3A_136 = arith.constant 0 : i32
    %max3A_137 = vector.broadcast %max3A_136 : i32 to vector<16xi32>
    %max3A_138 = arith.maxsi %get3A_117, %max3A_137 : vector<16xi32>
    %add3A_139 = arith.addi %mul3A_135, %max3A_138 : vector<16xi32>
    %gt3A_140 = arith.constant 0.000000e+00 : f32
    %gt3A_141 = vector.broadcast %gt3A_140 : f32 to vector<16xf32>
    %gt3A_142 = arith.cmpf ogt, %get3A_119, %gt3A_141 : vector<16xf32>
    tpu.vector_store_idx %arg13[%add3A_129], %get3A_115 masked %ge3A_122 : memref<40960xf32, #tpu.memory_space<vmem>>[vector<16xi32>], vector<16xf32>, vector<16xi1>
    tpu.vector_store_idx %arg13[%add3A_139], %get3A_119 masked %ge3A_132 : memref<40960xf32, #tpu.memory_space<vmem>>[vector<16xi32>], vector<16xf32>, vector<16xi1>
    tpu.vector_store_idx %arg12[%add3A_129], %broadcast_in_dim3A_10 masked %ge3A_122 : memref<40960xf32, #tpu.memory_space<vmem>>[vector<16xi32>], vector<16xf32>, vector<16xi1>
    tpu.vector_store_idx %arg12[%add3A_139], %broadcast_in_dim3A_10 masked %gt3A_142 : memref<40960xf32, #tpu.memory_space<vmem>>[vector<16xi32>], vector<16xf32>, vector<16xi1>
    %add3A_143 = arith.constant 48 : i32
    %add3A_144 = arith.addi %mul3A_2, %add3A_143 : i32
    %mul3A_145 = arith.constant 2560 : i32
    %mul3A_146 = arith.muli %add3A_144, %mul3A_145 : i32
    "tpu.region"() ({
      %run_scoped3A = tpu.sem_alloc : memref<!tpu.dma_semaphore, #tpu.memory_space<semaphore_mem>>
      %dma_start3A = tpu.memref_slice %arg6[%mul3A_146] : memref<10485760xf32, #tpu.memory_space<hbm>> -> memref<40960xf32, #tpu.memory_space<hbm>>
      %dma_start3A_287 = tpu.memref_slice %arg6[%mul3A_146] : memref<10485760xf32, #tpu.memory_space<hbm>> -> memref<40960xf32, #tpu.memory_space<hbm>>
      tpu.enqueue_dma source(%arg12 : memref<40960xf32, #tpu.memory_space<vmem>>) target(%dma_start3A_287 : memref<40960xf32, #tpu.memory_space<hbm>>) target_semaphore(%run_scoped3A : memref<!tpu.dma_semaphore, #tpu.memory_space<semaphore_mem>>)
      %dma_wait3A = tpu.memref_slice %arg6[%mul3A_146] : memref<10485760xf32, #tpu.memory_space<hbm>> -> memref<40960xf32, #tpu.memory_space<hbm>>
      %dma_wait3A_288 = tpu.memref_slice %arg6[%mul3A_146] : memref<10485760xf32, #tpu.memory_space<hbm>> -> memref<40960xf32, #tpu.memory_space<hbm>>
      tpu.wait_dma2 semaphore(%run_scoped3A : memref<!tpu.dma_semaphore, #tpu.memory_space<semaphore_mem>>) src(%arg12 : memref<40960xf32, #tpu.memory_space<vmem>>) dst(%dma_wait3A_288 : memref<40960xf32, #tpu.memory_space<hbm>>)
      tpu.yield
    }) : () -> ()
    "tpu.region"() ({
      %run_scoped3A = tpu.sem_alloc : memref<!tpu.dma_semaphore, #tpu.memory_space<semaphore_mem>>
      %dma_start3A = tpu.memref_slice %arg7[%mul3A_146] : memref<10485760xf32, #tpu.memory_space<hbm>> -> memref<40960xf32, #tpu.memory_space<hbm>>
      %dma_start3A_287 = tpu.memref_slice %arg7[%mul3A_146] : memref<10485760xf32, #tpu.memory_space<hbm>> -> memref<40960xf32, #tpu.memory_space<hbm>>
      tpu.enqueue_dma source(%arg13 : memref<40960xf32, #tpu.memory_space<vmem>>) target(%dma_start3A_287 : memref<40960xf32, #tpu.memory_space<hbm>>) target_semaphore(%run_scoped3A : memref<!tpu.dma_semaphore, #tpu.memory_space<semaphore_mem>>)
      %dma_wait3A = tpu.memref_slice %arg7[%mul3A_146] : memref<10485760xf32, #tpu.memory_space<hbm>> -> memref<40960xf32, #tpu.memory_space<hbm>>
      %dma_wait3A_288 = tpu.memref_slice %arg7[%mul3A_146] : memref<10485760xf32, #tpu.memory_space<hbm>> -> memref<40960xf32, #tpu.memory_space<hbm>>
      tpu.wait_dma2 semaphore(%run_scoped3A : memref<!tpu.dma_semaphore, #tpu.memory_space<semaphore_mem>>) src(%arg13 : memref<40960xf32, #tpu.memory_space<vmem>>) dst(%dma_wait3A_288 : memref<40960xf32, #tpu.memory_space<hbm>>)
      tpu.yield
    }) : () -> ()
    tpu.vector_store_idx %arg13[%add3A_129], %broadcast_in_dim3A_3 masked %ge3A_122 : memref<40960xf32, #tpu.memory_space<vmem>>[vector<16xi32>], vector<16xf32>, vector<16xi1>
    tpu.vector_store_idx %arg13[%add3A_139], %broadcast_in_dim3A_3 masked %ge3A_132 : memref<40960xf32, #tpu.memory_space<vmem>>[vector<16xi32>], vector<16xf32>, vector<16xi1>
    tpu.vector_store_idx %arg12[%add3A_129], %broadcast_in_dim3A_3 masked %ge3A_122 : memref<40960xf32, #tpu.memory_space<vmem>>[vector<16xi32>], vector<16xf32>, vector<16xi1>
    tpu.vector_store_idx %arg12[%add3A_139], %broadcast_in_dim3A_3 masked %gt3A_142 : memref<40960xf32, #tpu.memory_space<vmem>>[vector<16xi32>], vector<16xf32>, vector<16xi1>
    %get3A_147 = arith.constant 64 : index
    %get3A_148 = tpu.vector_load %arg8[%get3A_147] {strides = array<i32>} : memref<128xi32, #tpu.memory_space<vmem>>, vector<16xi32>,
    %get3A_149 = arith.constant 64 : index
    %get3A_150 = tpu.vector_load %arg9[%get3A_149] {strides = array<i32>} : memref<128xf32, #tpu.memory_space<vmem>>, vector<16xf32>,
    %get3A_151 = arith.constant 64 : index
    %get3A_152 = tpu.vector_load %arg10[%get3A_151] {strides = array<i32>} : memref<128xi32, #tpu.memory_space<vmem>>, vector<16xi32>,
    %get3A_153 = arith.constant 64 : index
    %get3A_154 = tpu.vector_load %arg11[%get3A_153] {strides = array<i32>} : memref<128xf32, #tpu.memory_space<vmem>>, vector<16xf32>,
    %ge3A_155 = arith.constant 0 : i32
    %ge3A_156 = vector.broadcast %ge3A_155 : i32 to vector<16xi32>
    %ge3A_157 = arith.cmpi sge, %get3A_148, %ge3A_156 : vector<16xi32>
    %mul3A_158 = arith.constant 2560 : i32
    %mul3A_159 = vector.broadcast %mul3A_158 : i32 to vector<16xi32>
    %mul3A_160 = arith.muli %iota3A, %mul3A_159 : vector<16xi32>
    %max3A_161 = arith.constant 0 : i32
    %max3A_162 = vector.broadcast %max3A_161 : i32 to vector<16xi32>
    %max3A_163 = arith.maxsi %get3A_148, %max3A_162 : vector<16xi32>
    %add3A_164 = arith.addi %mul3A_160, %max3A_163 : vector<16xi32>
    %ge3A_165 = arith.constant 0 : i32
    %ge3A_166 = vector.broadcast %ge3A_165 : i32 to vector<16xi32>
    %ge3A_167 = arith.cmpi sge, %get3A_152, %ge3A_166 : vector<16xi32>
    %mul3A_168 = arith.constant 2560 : i32
    %mul3A_169 = vector.broadcast %mul3A_168 : i32 to vector<16xi32>
    %mul3A_170 = arith.muli %iota3A, %mul3A_169 : vector<16xi32>
    %max3A_171 = arith.constant 0 : i32
    %max3A_172 = vector.broadcast %max3A_171 : i32 to vector<16xi32>
    %max3A_173 = arith.maxsi %get3A_152, %max3A_172 : vector<16xi32>
    %add3A_174 = arith.addi %mul3A_170, %max3A_173 : vector<16xi32>
    %gt3A_175 = arith.constant 0.000000e+00 : f32
    %gt3A_176 = vector.broadcast %gt3A_175 : f32 to vector<16xf32>
    %gt3A_177 = arith.cmpf ogt, %get3A_154, %gt3A_176 : vector<16xf32>
    tpu.vector_store_idx %arg13[%add3A_164], %get3A_150 masked %ge3A_157 : memref<40960xf32, #tpu.memory_space<vmem>>[vector<16xi32>], vector<16xf32>, vector<16xi1>
    tpu.vector_store_idx %arg13[%add3A_174], %get3A_154 masked %ge3A_167 : memref<40960xf32, #tpu.memory_space<vmem>>[vector<16xi32>], vector<16xf32>, vector<16xi1>
    tpu.vector_store_idx %arg12[%add3A_164], %broadcast_in_dim3A_10 masked %ge3A_157 : memref<40960xf32, #tpu.memory_space<vmem>>[vector<16xi32>], vector<16xf32>, vector<16xi1>
    tpu.vector_store_idx %arg12[%add3A_174], %broadcast_in_dim3A_10 masked %gt3A_177 : memref<40960xf32, #tpu.memory_space<vmem>>[vector<16xi32>], vector<16xf32>, vector<16xi1>
    %add3A_178 = arith.constant 64 : i32
    %add3A_179 = arith.addi %mul3A_2, %add3A_178 : i32
    %mul3A_180 = arith.constant 2560 : i32
    %mul3A_181 = arith.muli %add3A_179, %mul3A_180 : i32
    "tpu.region"() ({
      %run_scoped3A = tpu.sem_alloc : memref<!tpu.dma_semaphore, #tpu.memory_space<semaphore_mem>>
      %dma_start3A = tpu.memref_slice %arg6[%mul3A_181] : memref<10485760xf32, #tpu.memory_space<hbm>> -> memref<40960xf32, #tpu.memory_space<hbm>>
      %dma_start3A_287 = tpu.memref_slice %arg6[%mul3A_181] : memref<10485760xf32, #tpu.memory_space<hbm>> -> memref<40960xf32, #tpu.memory_space<hbm>>
      tpu.enqueue_dma source(%arg12 : memref<40960xf32, #tpu.memory_space<vmem>>) target(%dma_start3A_287 : memref<40960xf32, #tpu.memory_space<hbm>>) target_semaphore(%run_scoped3A : memref<!tpu.dma_semaphore, #tpu.memory_space<semaphore_mem>>)
      %dma_wait3A = tpu.memref_slice %arg6[%mul3A_181] : memref<10485760xf32, #tpu.memory_space<hbm>> -> memref<40960xf32, #tpu.memory_space<hbm>>
      %dma_wait3A_288 = tpu.memref_slice %arg6[%mul3A_181] : memref<10485760xf32, #tpu.memory_space<hbm>> -> memref<40960xf32, #tpu.memory_space<hbm>>
      tpu.wait_dma2 semaphore(%run_scoped3A : memref<!tpu.dma_semaphore, #tpu.memory_space<semaphore_mem>>) src(%arg12 : memref<40960xf32, #tpu.memory_space<vmem>>) dst(%dma_wait3A_288 : memref<40960xf32, #tpu.memory_space<hbm>>)
      tpu.yield
    }) : () -> ()
    "tpu.region"() ({
      %run_scoped3A = tpu.sem_alloc : memref<!tpu.dma_semaphore, #tpu.memory_space<semaphore_mem>>
      %dma_start3A = tpu.memref_slice %arg7[%mul3A_181] : memref<10485760xf32, #tpu.memory_space<hbm>> -> memref<40960xf32, #tpu.memory_space<hbm>>
      %dma_start3A_287 = tpu.memref_slice %arg7[%mul3A_181] : memref<10485760xf32, #tpu.memory_space<hbm>> -> memref<40960xf32, #tpu.memory_space<hbm>>
      tpu.enqueue_dma source(%arg13 : memref<40960xf32, #tpu.memory_space<vmem>>) target(%dma_start3A_287 : memref<40960xf32, #tpu.memory_space<hbm>>) target_semaphore(%run_scoped3A : memref<!tpu.dma_semaphore, #tpu.memory_space<semaphore_mem>>)
      %dma_wait3A = tpu.memref_slice %arg7[%mul3A_181] : memref<10485760xf32, #tpu.memory_space<hbm>> -> memref<40960xf32, #tpu.memory_space<hbm>>
      %dma_wait3A_288 = tpu.memref_slice %arg7[%mul3A_181] : memref<10485760xf32, #tpu.memory_space<hbm>> -> memref<40960xf32, #tpu.memory_space<hbm>>
      tpu.wait_dma2 semaphore(%run_scoped3A : memref<!tpu.dma_semaphore, #tpu.memory_space<semaphore_mem>>) src(%arg13 : memref<40960xf32, #tpu.memory_space<vmem>>) dst(%dma_wait3A_288 : memref<40960xf32, #tpu.memory_space<hbm>>)
      tpu.yield
    }) : () -> ()
    tpu.vector_store_idx %arg13[%add3A_164], %broadcast_in_dim3A_3 masked %ge3A_157 : memref<40960xf32, #tpu.memory_space<vmem>>[vector<16xi32>], vector<16xf32>, vector<16xi1>
    tpu.vector_store_idx %arg13[%add3A_174], %broadcast_in_dim3A_3 masked %ge3A_167 : memref<40960xf32, #tpu.memory_space<vmem>>[vector<16xi32>], vector<16xf32>, vector<16xi1>
    tpu.vector_store_idx %arg12[%add3A_164], %broadcast_in_dim3A_3 masked %ge3A_157 : memref<40960xf32, #tpu.memory_space<vmem>>[vector<16xi32>], vector<16xf32>, vector<16xi1>
    tpu.vector_store_idx %arg12[%add3A_174], %broadcast_in_dim3A_3 masked %gt3A_177 : memref<40960xf32, #tpu.memory_space<vmem>>[vector<16xi32>], vector<16xf32>, vector<16xi1>
    %get3A_182 = arith.constant 80 : index
    %get3A_183 = tpu.vector_load %arg8[%get3A_182] {strides = array<i32>} : memref<128xi32, #tpu.memory_space<vmem>>, vector<16xi32>,
    %get3A_184 = arith.constant 80 : index
    %get3A_185 = tpu.vector_load %arg9[%get3A_184] {strides = array<i32>} : memref<128xf32, #tpu.memory_space<vmem>>, vector<16xf32>,
    %get3A_186 = arith.constant 80 : index
    %get3A_187 = tpu.vector_load %arg10[%get3A_186] {strides = array<i32>} : memref<128xi32, #tpu.memory_space<vmem>>, vector<16xi32>,
    %get3A_188 = arith.constant 80 : index
    %get3A_189 = tpu.vector_load %arg11[%get3A_188] {strides = array<i32>} : memref<128xf32, #tpu.memory_space<vmem>>, vector<16xf32>,
    %ge3A_190 = arith.constant 0 : i32
    %ge3A_191 = vector.broadcast %ge3A_190 : i32 to vector<16xi32>
    %ge3A_192 = arith.cmpi sge, %get3A_183, %ge3A_191 : vector<16xi32>
    %mul3A_193 = arith.constant 2560 : i32
    %mul3A_194 = vector.broadcast %mul3A_193 : i32 to vector<16xi32>
    %mul3A_195 = arith.muli %iota3A, %mul3A_194 : vector<16xi32>
    %max3A_196 = arith.constant 0 : i32
    %max3A_197 = vector.broadcast %max3A_196 : i32 to vector<16xi32>
    %max3A_198 = arith.maxsi %get3A_183, %max3A_197 : vector<16xi32>
    %add3A_199 = arith.addi %mul3A_195, %max3A_198 : vector<16xi32>
    %ge3A_200 = arith.constant 0 : i32
    %ge3A_201 = vector.broadcast %ge3A_200 : i32 to vector<16xi32>
    %ge3A_202 = arith.cmpi sge, %get3A_187, %ge3A_201 : vector<16xi32>
    %mul3A_203 = arith.constant 2560 : i32
    %mul3A_204 = vector.broadcast %mul3A_203 : i32 to vector<16xi32>
    %mul3A_205 = arith.muli %iota3A, %mul3A_204 : vector<16xi32>
    %max3A_206 = arith.constant 0 : i32
    %max3A_207 = vector.broadcast %max3A_206 : i32 to vector<16xi32>
    %max3A_208 = arith.maxsi %get3A_187, %max3A_207 : vector<16xi32>
    %add3A_209 = arith.addi %mul3A_205, %max3A_208 : vector<16xi32>
    %gt3A_210 = arith.constant 0.000000e+00 : f32
    %gt3A_211 = vector.broadcast %gt3A_210 : f32 to vector<16xf32>
    %gt3A_212 = arith.cmpf ogt, %get3A_189, %gt3A_211 : vector<16xf32>
    tpu.vector_store_idx %arg13[%add3A_199], %get3A_185 masked %ge3A_192 : memref<40960xf32, #tpu.memory_space<vmem>>[vector<16xi32>], vector<16xf32>, vector<16xi1>
    tpu.vector_store_idx %arg13[%add3A_209], %get3A_189 masked %ge3A_202 : memref<40960xf32, #tpu.memory_space<vmem>>[vector<16xi32>], vector<16xf32>, vector<16xi1>
    tpu.vector_store_idx %arg12[%add3A_199], %broadcast_in_dim3A_10 masked %ge3A_192 : memref<40960xf32, #tpu.memory_space<vmem>>[vector<16xi32>], vector<16xf32>, vector<16xi1>
    tpu.vector_store_idx %arg12[%add3A_209], %broadcast_in_dim3A_10 masked %gt3A_212 : memref<40960xf32, #tpu.memory_space<vmem>>[vector<16xi32>], vector<16xf32>, vector<16xi1>
    %add3A_213 = arith.constant 80 : i32
    %add3A_214 = arith.addi %mul3A_2, %add3A_213 : i32
    %mul3A_215 = arith.constant 2560 : i32
    %mul3A_216 = arith.muli %add3A_214, %mul3A_215 : i32
    "tpu.region"() ({
      %run_scoped3A = tpu.sem_alloc : memref<!tpu.dma_semaphore, #tpu.memory_space<semaphore_mem>>
      %dma_start3A = tpu.memref_slice %arg6[%mul3A_216] : memref<10485760xf32, #tpu.memory_space<hbm>> -> memref<40960xf32, #tpu.memory_space<hbm>>
      %dma_start3A_287 = tpu.memref_slice %arg6[%mul3A_216] : memref<10485760xf32, #tpu.memory_space<hbm>> -> memref<40960xf32, #tpu.memory_space<hbm>>
      tpu.enqueue_dma source(%arg12 : memref<40960xf32, #tpu.memory_space<vmem>>) target(%dma_start3A_287 : memref<40960xf32, #tpu.memory_space<hbm>>) target_semaphore(%run_scoped3A : memref<!tpu.dma_semaphore, #tpu.memory_space<semaphore_mem>>)
      %dma_wait3A = tpu.memref_slice %arg6[%mul3A_216] : memref<10485760xf32, #tpu.memory_space<hbm>> -> memref<40960xf32, #tpu.memory_space<hbm>>
      %dma_wait3A_288 = tpu.memref_slice %arg6[%mul3A_216] : memref<10485760xf32, #tpu.memory_space<hbm>> -> memref<40960xf32, #tpu.memory_space<hbm>>
      tpu.wait_dma2 semaphore(%run_scoped3A : memref<!tpu.dma_semaphore, #tpu.memory_space<semaphore_mem>>) src(%arg12 : memref<40960xf32, #tpu.memory_space<vmem>>) dst(%dma_wait3A_288 : memref<40960xf32, #tpu.memory_space<hbm>>)
      tpu.yield
    }) : () -> ()
    "tpu.region"() ({
      %run_scoped3A = tpu.sem_alloc : memref<!tpu.dma_semaphore, #tpu.memory_space<semaphore_mem>>
      %dma_start3A = tpu.memref_slice %arg7[%mul3A_216] : memref<10485760xf32, #tpu.memory_space<hbm>> -> memref<40960xf32, #tpu.memory_space<hbm>>
      %dma_start3A_287 = tpu.memref_slice %arg7[%mul3A_216] : memref<10485760xf32, #tpu.memory_space<hbm>> -> memref<40960xf32, #tpu.memory_space<hbm>>
      tpu.enqueue_dma source(%arg13 : memref<40960xf32, #tpu.memory_space<vmem>>) target(%dma_start3A_287 : memref<40960xf32, #tpu.memory_space<hbm>>) target_semaphore(%run_scoped3A : memref<!tpu.dma_semaphore, #tpu.memory_space<semaphore_mem>>)
      %dma_wait3A = tpu.memref_slice %arg7[%mul3A_216] : memref<10485760xf32, #tpu.memory_space<hbm>> -> memref<40960xf32, #tpu.memory_space<hbm>>
      %dma_wait3A_288 = tpu.memref_slice %arg7[%mul3A_216] : memref<10485760xf32, #tpu.memory_space<hbm>> -> memref<40960xf32, #tpu.memory_space<hbm>>
      tpu.wait_dma2 semaphore(%run_scoped3A : memref<!tpu.dma_semaphore, #tpu.memory_space<semaphore_mem>>) src(%arg13 : memref<40960xf32, #tpu.memory_space<vmem>>) dst(%dma_wait3A_288 : memref<40960xf32, #tpu.memory_space<hbm>>)
      tpu.yield
    }) : () -> ()
    tpu.vector_store_idx %arg13[%add3A_199], %broadcast_in_dim3A_3 masked %ge3A_192 : memref<40960xf32, #tpu.memory_space<vmem>>[vector<16xi32>], vector<16xf32>, vector<16xi1>
    tpu.vector_store_idx %arg13[%add3A_209], %broadcast_in_dim3A_3 masked %ge3A_202 : memref<40960xf32, #tpu.memory_space<vmem>>[vector<16xi32>], vector<16xf32>, vector<16xi1>
    tpu.vector_store_idx %arg12[%add3A_199], %broadcast_in_dim3A_3 masked %ge3A_192 : memref<40960xf32, #tpu.memory_space<vmem>>[vector<16xi32>], vector<16xf32>, vector<16xi1>
    tpu.vector_store_idx %arg12[%add3A_209], %broadcast_in_dim3A_3 masked %gt3A_212 : memref<40960xf32, #tpu.memory_space<vmem>>[vector<16xi32>], vector<16xf32>, vector<16xi1>
    %get3A_217 = arith.constant 96 : index
    %get3A_218 = tpu.vector_load %arg8[%get3A_217] {strides = array<i32>} : memref<128xi32, #tpu.memory_space<vmem>>, vector<16xi32>,
    %get3A_219 = arith.constant 96 : index
    %get3A_220 = tpu.vector_load %arg9[%get3A_219] {strides = array<i32>} : memref<128xf32, #tpu.memory_space<vmem>>, vector<16xf32>,
    %get3A_221 = arith.constant 96 : index
    %get3A_222 = tpu.vector_load %arg10[%get3A_221] {strides = array<i32>} : memref<128xi32, #tpu.memory_space<vmem>>, vector<16xi32>,
    %get3A_223 = arith.constant 96 : index
    %get3A_224 = tpu.vector_load %arg11[%get3A_223] {strides = array<i32>} : memref<128xf32, #tpu.memory_space<vmem>>, vector<16xf32>,
    %ge3A_225 = arith.constant 0 : i32
    %ge3A_226 = vector.broadcast %ge3A_225 : i32 to vector<16xi32>
    %ge3A_227 = arith.cmpi sge, %get3A_218, %ge3A_226 : vector<16xi32>
    %mul3A_228 = arith.constant 2560 : i32
    %mul3A_229 = vector.broadcast %mul3A_228 : i32 to vector<16xi32>
    %mul3A_230 = arith.muli %iota3A, %mul3A_229 : vector<16xi32>
    %max3A_231 = arith.constant 0 : i32
    %max3A_232 = vector.broadcast %max3A_231 : i32 to vector<16xi32>
    %max3A_233 = arith.maxsi %get3A_218, %max3A_232 : vector<16xi32>
    %add3A_234 = arith.addi %mul3A_230, %max3A_233 : vector<16xi32>
    %ge3A_235 = arith.constant 0 : i32
    %ge3A_236 = vector.broadcast %ge3A_235 : i32 to vector<16xi32>
    %ge3A_237 = arith.cmpi sge, %get3A_222, %ge3A_236 : vector<16xi32>
    %mul3A_238 = arith.constant 2560 : i32
    %mul3A_239 = vector.broadcast %mul3A_238 : i32 to vector<16xi32>
    %mul3A_240 = arith.muli %iota3A, %mul3A_239 : vector<16xi32>
    %max3A_241 = arith.constant 0 : i32
    %max3A_242 = vector.broadcast %max3A_241 : i32 to vector<16xi32>
    %max3A_243 = arith.maxsi %get3A_222, %max3A_242 : vector<16xi32>
    %add3A_244 = arith.addi %mul3A_240, %max3A_243 : vector<16xi32>
    %gt3A_245 = arith.constant 0.000000e+00 : f32
    %gt3A_246 = vector.broadcast %gt3A_245 : f32 to vector<16xf32>
    %gt3A_247 = arith.cmpf ogt, %get3A_224, %gt3A_246 : vector<16xf32>
    tpu.vector_store_idx %arg13[%add3A_234], %get3A_220 masked %ge3A_227 : memref<40960xf32, #tpu.memory_space<vmem>>[vector<16xi32>], vector<16xf32>, vector<16xi1>
    tpu.vector_store_idx %arg13[%add3A_244], %get3A_224 masked %ge3A_237 : memref<40960xf32, #tpu.memory_space<vmem>>[vector<16xi32>], vector<16xf32>, vector<16xi1>
    tpu.vector_store_idx %arg12[%add3A_234], %broadcast_in_dim3A_10 masked %ge3A_227 : memref<40960xf32, #tpu.memory_space<vmem>>[vector<16xi32>], vector<16xf32>, vector<16xi1>
    tpu.vector_store_idx %arg12[%add3A_244], %broadcast_in_dim3A_10 masked %gt3A_247 : memref<40960xf32, #tpu.memory_space<vmem>>[vector<16xi32>], vector<16xf32>, vector<16xi1>
    %add3A_248 = arith.constant 96 : i32
    %add3A_249 = arith.addi %mul3A_2, %add3A_248 : i32
    %mul3A_250 = arith.constant 2560 : i32
    %mul3A_251 = arith.muli %add3A_249, %mul3A_250 : i32
    "tpu.region"() ({
      %run_scoped3A = tpu.sem_alloc : memref<!tpu.dma_semaphore, #tpu.memory_space<semaphore_mem>>
      %dma_start3A = tpu.memref_slice %arg6[%mul3A_251] : memref<10485760xf32, #tpu.memory_space<hbm>> -> memref<40960xf32, #tpu.memory_space<hbm>>
      %dma_start3A_287 = tpu.memref_slice %arg6[%mul3A_251] : memref<10485760xf32, #tpu.memory_space<hbm>> -> memref<40960xf32, #tpu.memory_space<hbm>>
      tpu.enqueue_dma source(%arg12 : memref<40960xf32, #tpu.memory_space<vmem>>) target(%dma_start3A_287 : memref<40960xf32, #tpu.memory_space<hbm>>) target_semaphore(%run_scoped3A : memref<!tpu.dma_semaphore, #tpu.memory_space<semaphore_mem>>)
      %dma_wait3A = tpu.memref_slice %arg6[%mul3A_251] : memref<10485760xf32, #tpu.memory_space<hbm>> -> memref<40960xf32, #tpu.memory_space<hbm>>
      %dma_wait3A_288 = tpu.memref_slice %arg6[%mul3A_251] : memref<10485760xf32, #tpu.memory_space<hbm>> -> memref<40960xf32, #tpu.memory_space<hbm>>
      tpu.wait_dma2 semaphore(%run_scoped3A : memref<!tpu.dma_semaphore, #tpu.memory_space<semaphore_mem>>) src(%arg12 : memref<40960xf32, #tpu.memory_space<vmem>>) dst(%dma_wait3A_288 : memref<40960xf32, #tpu.memory_space<hbm>>)
      tpu.yield
    }) : () -> ()
    "tpu.region"() ({
      %run_scoped3A = tpu.sem_alloc : memref<!tpu.dma_semaphore, #tpu.memory_space<semaphore_mem>>
      %dma_start3A = tpu.memref_slice %arg7[%mul3A_251] : memref<10485760xf32, #tpu.memory_space<hbm>> -> memref<40960xf32, #tpu.memory_space<hbm>>
      %dma_start3A_287 = tpu.memref_slice %arg7[%mul3A_251] : memref<10485760xf32, #tpu.memory_space<hbm>> -> memref<40960xf32, #tpu.memory_space<hbm>>
      tpu.enqueue_dma source(%arg13 : memref<40960xf32, #tpu.memory_space<vmem>>) target(%dma_start3A_287 : memref<40960xf32, #tpu.memory_space<hbm>>) target_semaphore(%run_scoped3A : memref<!tpu.dma_semaphore, #tpu.memory_space<semaphore_mem>>)
      %dma_wait3A = tpu.memref_slice %arg7[%mul3A_251] : memref<10485760xf32, #tpu.memory_space<hbm>> -> memref<40960xf32, #tpu.memory_space<hbm>>
      %dma_wait3A_288 = tpu.memref_slice %arg7[%mul3A_251] : memref<10485760xf32, #tpu.memory_space<hbm>> -> memref<40960xf32, #tpu.memory_space<hbm>>
      tpu.wait_dma2 semaphore(%run_scoped3A : memref<!tpu.dma_semaphore, #tpu.memory_space<semaphore_mem>>) src(%arg13 : memref<40960xf32, #tpu.memory_space<vmem>>) dst(%dma_wait3A_288 : memref<40960xf32, #tpu.memory_space<hbm>>)
      tpu.yield
    }) : () -> ()
    tpu.vector_store_idx %arg13[%add3A_234], %broadcast_in_dim3A_3 masked %ge3A_227 : memref<40960xf32, #tpu.memory_space<vmem>>[vector<16xi32>], vector<16xf32>, vector<16xi1>
    tpu.vector_store_idx %arg13[%add3A_244], %broadcast_in_dim3A_3 masked %ge3A_237 : memref<40960xf32, #tpu.memory_space<vmem>>[vector<16xi32>], vector<16xf32>, vector<16xi1>
    tpu.vector_store_idx %arg12[%add3A_234], %broadcast_in_dim3A_3 masked %ge3A_227 : memref<40960xf32, #tpu.memory_space<vmem>>[vector<16xi32>], vector<16xf32>, vector<16xi1>
    tpu.vector_store_idx %arg12[%add3A_244], %broadcast_in_dim3A_3 masked %gt3A_247 : memref<40960xf32, #tpu.memory_space<vmem>>[vector<16xi32>], vector<16xf32>, vector<16xi1>
    %get3A_252 = arith.constant 112 : index
    %get3A_253 = tpu.vector_load %arg8[%get3A_252] {strides = array<i32>} : memref<128xi32, #tpu.memory_space<vmem>>, vector<16xi32>,
    %get3A_254 = arith.constant 112 : index
    %get3A_255 = tpu.vector_load %arg9[%get3A_254] {strides = array<i32>} : memref<128xf32, #tpu.memory_space<vmem>>, vector<16xf32>,
    %get3A_256 = arith.constant 112 : index
    %get3A_257 = tpu.vector_load %arg10[%get3A_256] {strides = array<i32>} : memref<128xi32, #tpu.memory_space<vmem>>, vector<16xi32>,
    %get3A_258 = arith.constant 112 : index
    %get3A_259 = tpu.vector_load %arg11[%get3A_258] {strides = array<i32>} : memref<128xf32, #tpu.memory_space<vmem>>, vector<16xf32>,
    %ge3A_260 = arith.constant 0 : i32
    %ge3A_261 = vector.broadcast %ge3A_260 : i32 to vector<16xi32>
    %ge3A_262 = arith.cmpi sge, %get3A_253, %ge3A_261 : vector<16xi32>
    %mul3A_263 = arith.constant 2560 : i32
    %mul3A_264 = vector.broadcast %mul3A_263 : i32 to vector<16xi32>
    %mul3A_265 = arith.muli %iota3A, %mul3A_264 : vector<16xi32>
    %max3A_266 = arith.constant 0 : i32
    %max3A_267 = vector.broadcast %max3A_266 : i32 to vector<16xi32>
    %max3A_268 = arith.maxsi %get3A_253, %max3A_267 : vector<16xi32>
    %add3A_269 = arith.addi %mul3A_265, %max3A_268 : vector<16xi32>
    %ge3A_270 = arith.constant 0 : i32
    %ge3A_271 = vector.broadcast %ge3A_270 : i32 to vector<16xi32>
    %ge3A_272 = arith.cmpi sge, %get3A_257, %ge3A_271 : vector<16xi32>
    %mul3A_273 = arith.constant 2560 : i32
    %mul3A_274 = vector.broadcast %mul3A_273 : i32 to vector<16xi32>
    %mul3A_275 = arith.muli %iota3A, %mul3A_274 : vector<16xi32>
    %max3A_276 = arith.constant 0 : i32
    %max3A_277 = vector.broadcast %max3A_276 : i32 to vector<16xi32>
    %max3A_278 = arith.maxsi %get3A_257, %max3A_277 : vector<16xi32>
    %add3A_279 = arith.addi %mul3A_275, %max3A_278 : vector<16xi32>
    %gt3A_280 = arith.constant 0.000000e+00 : f32
    %gt3A_281 = vector.broadcast %gt3A_280 : f32 to vector<16xf32>
    %gt3A_282 = arith.cmpf ogt, %get3A_259, %gt3A_281 : vector<16xf32>
    tpu.vector_store_idx %arg13[%add3A_269], %get3A_255 masked %ge3A_262 : memref<40960xf32, #tpu.memory_space<vmem>>[vector<16xi32>], vector<16xf32>, vector<16xi1>
    tpu.vector_store_idx %arg13[%add3A_279], %get3A_259 masked %ge3A_272 : memref<40960xf32, #tpu.memory_space<vmem>>[vector<16xi32>], vector<16xf32>, vector<16xi1>
    tpu.vector_store_idx %arg12[%add3A_269], %broadcast_in_dim3A_10 masked %ge3A_262 : memref<40960xf32, #tpu.memory_space<vmem>>[vector<16xi32>], vector<16xf32>, vector<16xi1>
    tpu.vector_store_idx %arg12[%add3A_279], %broadcast_in_dim3A_10 masked %gt3A_282 : memref<40960xf32, #tpu.memory_space<vmem>>[vector<16xi32>], vector<16xf32>, vector<16xi1>
    %add3A_283 = arith.constant 112 : i32
    %add3A_284 = arith.addi %mul3A_2, %add3A_283 : i32
    %mul3A_285 = arith.constant 2560 : i32
    %mul3A_286 = arith.muli %add3A_284, %mul3A_285 : i32
    "tpu.region"() ({
      %run_scoped3A = tpu.sem_alloc : memref<!tpu.dma_semaphore, #tpu.memory_space<semaphore_mem>>
      %dma_start3A = tpu.memref_slice %arg6[%mul3A_286] : memref<10485760xf32, #tpu.memory_space<hbm>> -> memref<40960xf32, #tpu.memory_space<hbm>>
      %dma_start3A_287 = tpu.memref_slice %arg6[%mul3A_286] : memref<10485760xf32, #tpu.memory_space<hbm>> -> memref<40960xf32, #tpu.memory_space<hbm>>
      tpu.enqueue_dma source(%arg12 : memref<40960xf32, #tpu.memory_space<vmem>>) target(%dma_start3A_287 : memref<40960xf32, #tpu.memory_space<hbm>>) target_semaphore(%run_scoped3A : memref<!tpu.dma_semaphore, #tpu.memory_space<semaphore_mem>>)
      %dma_wait3A = tpu.memref_slice %arg6[%mul3A_286] : memref<10485760xf32, #tpu.memory_space<hbm>> -> memref<40960xf32, #tpu.memory_space<hbm>>
      %dma_wait3A_288 = tpu.memref_slice %arg6[%mul3A_286] : memref<10485760xf32, #tpu.memory_space<hbm>> -> memref<40960xf32, #tpu.memory_space<hbm>>
      tpu.wait_dma2 semaphore(%run_scoped3A : memref<!tpu.dma_semaphore, #tpu.memory_space<semaphore_mem>>) src(%arg12 : memref<40960xf32, #tpu.memory_space<vmem>>) dst(%dma_wait3A_288 : memref<40960xf32, #tpu.memory_space<hbm>>)
      tpu.yield
    }) : () -> ()
    "tpu.region"() ({
      %run_scoped3A = tpu.sem_alloc : memref<!tpu.dma_semaphore, #tpu.memory_space<semaphore_mem>>
      %dma_start3A = tpu.memref_slice %arg7[%mul3A_286] : memref<10485760xf32, #tpu.memory_space<hbm>> -> memref<40960xf32, #tpu.memory_space<hbm>>
      %dma_start3A_287 = tpu.memref_slice %arg7[%mul3A_286] : memref<10485760xf32, #tpu.memory_space<hbm>> -> memref<40960xf32, #tpu.memory_space<hbm>>
      tpu.enqueue_dma source(%arg13 : memref<40960xf32, #tpu.memory_space<vmem>>) target(%dma_start3A_287 : memref<40960xf32, #tpu.memory_space<hbm>>) target_semaphore(%run_scoped3A : memref<!tpu.dma_semaphore, #tpu.memory_space<semaphore_mem>>)
      %dma_wait3A = tpu.memref_slice %arg7[%mul3A_286] : memref<10485760xf32, #tpu.memory_space<hbm>> -> memref<40960xf32, #tpu.memory_space<hbm>>
      %dma_wait3A_288 = tpu.memref_slice %arg7[%mul3A_286] : memref<10485760xf32, #tpu.memory_space<hbm>> -> memref<40960xf32, #tpu.memory_space<hbm>>
      tpu.wait_dma2 semaphore(%run_scoped3A : memref<!tpu.dma_semaphore, #tpu.memory_space<semaphore_mem>>) src(%arg13 : memref<40960xf32, #tpu.memory_space<vmem>>) dst(%dma_wait3A_288 : memref<40960xf32, #tpu.memory_space<hbm>>)
      tpu.yield
    }) : () -> ()
    tpu.vector_store_idx %arg13[%add3A_269], %broadcast_in_dim3A_3 masked %ge3A_262 : memref<40960xf32, #tpu.memory_space<vmem>>[vector<16xi32>], vector<16xf32>, vector<16xi1>
    tpu.vector_store_idx %arg13[%add3A_279], %broadcast_in_dim3A_3 masked %ge3A_272 : memref<40960xf32, #tpu.memory_space<vmem>>[vector<16xi32>], vector<16xf32>, vector<16xi1>
    tpu.vector_store_idx %arg12[%add3A_269], %broadcast_in_dim3A_3 masked %ge3A_262 : memref<40960xf32, #tpu.memory_space<vmem>>[vector<16xi32>], vector<16xf32>, vector<16xi1>
    tpu.vector_store_idx %arg12[%add3A_279], %broadcast_in_dim3A_3 masked %gt3A_282 : memref<40960xf32, #tpu.memory_space<vmem>>[vector<16xi32>], vector<16xf32>, vector<16xi1>
    return
  }
}

module attributes {stable_mosaic.version = 14 : i64} {
  func.func @_gate_kernel(%arg0: i32, %arg1: memref<1x512x4096xf32, #tpu.memory_space<vmem>>, %arg2: memref<4096x64xf32, #tpu.memory_space<vmem>>, %arg3: memref<1x1x512xi32, #tpu.memory_space<vmem>>, %arg4: memref<1x1x512xf32, #tpu.memory_space<vmem>>, %arg5: memref<1x4x1x512xi32, #tpu.memory_space<vmem>>, %arg6: memref<1x4x1x512xf32, #tpu.memory_space<vmem>>, %arg7: memref<1x1xf32, #tpu.memory_space<vmem>>, %arg8: memref<8x1x512xi32, #tpu.memory_space<vmem>>, %arg9: memref<8x1x512xf32, #tpu.memory_space<vmem>>, %arg10: memref<8x1x512xf32, #tpu.memory_space<vmem>>, %arg11: memref<2x1x64xf32, #tpu.memory_space<vmem>>, %arg12: memref<2x1x64xf32, #tpu.memory_space<vmem>>, %arg13: memref<1x64xf32, #tpu.memory_space<vmem>>, %arg14: memref<1x64xf32, #tpu.memory_space<vmem>>) attributes {dimension_semantics = [#tpu.dimension_semantics<arbitrary>], iteration_bounds = array<i64: 8>, scalar_prefetch = 0 : i64, scratch_operands = 7 : i64, tpu.core_type = #tpu.core_type<tc>, window_params = [{transform_indices = @transform_0, window_bounds = array<i64: 1, 512, 4096>}, {pipeline_mode = #tpu.pipeline_mode<synchronous>, transform_indices = @transform_1, window_bounds = array<i64: 4096, 64>}, {transform_indices = @transform_2, window_bounds = array<i64: 1, 1, 512>}, {transform_indices = @transform_3, window_bounds = array<i64: 1, 1, 512>}, {transform_indices = @transform_4, window_bounds = array<i64: 1, 4, 1, 512>}, {transform_indices = @transform_5, window_bounds = array<i64: 1, 4, 1, 512>}, {pipeline_mode = #tpu.pipeline_mode<synchronous>, transform_indices = @transform_6, window_bounds = array<i64: 1, 1>}]} {
    %jit3A = arith.constant 4 : i32
    %div3A = arith.divsi %arg0, %jit3A : i32
    %sign3A = arith.constant 0 : i32
    %sign3A_0 = arith.cmpi sgt, %arg0, %sign3A : i32
    %sign3A_1 = arith.extui %sign3A_0 : i1 to i32
    %sign3A_2 = arith.constant 0 : i32
    %sign3A_3 = arith.cmpi slt, %arg0, %sign3A_2 : i32
    %sign3A_4 = arith.extui %sign3A_3 : i1 to i32
    %sign3A_5 = arith.subi %sign3A_1, %sign3A_4 : i32
    %sign3A_6 = arith.constant 0 : i32
    %sign3A_7 = arith.cmpi sgt, %jit3A, %sign3A_6 : i32
    %sign3A_8 = arith.extui %sign3A_7 : i1 to i32
    %sign3A_9 = arith.constant 0 : i32
    %sign3A_10 = arith.cmpi slt, %jit3A, %sign3A_9 : i32
    %sign3A_11 = arith.extui %sign3A_10 : i1 to i32
    %sign3A_12 = arith.subi %sign3A_8, %sign3A_11 : i32
    %ne3A = arith.cmpi ne, %sign3A_5, %sign3A_12 : i32
    %rem3A = arith.remsi %arg0, %jit3A : i32
    %ne3A_13 = arith.constant 0 : i32
    %ne3A_14 = arith.cmpi ne, %rem3A, %ne3A_13 : i32
    %and3A = arith.andi %ne3A, %ne3A_14 : i1
    %sub3A = arith.constant 1 : i32
    %sub3A_15 = arith.subi %div3A, %sub3A : i32
    %select_n3A = arith.select %and3A, %sub3A_15, %div3A : i32
    %rem3A_16 = arith.constant 4 : i32
    %rem3A_17 = arith.remsi %arg0, %rem3A_16 : i32
    %eq3A = arith.constant 0 : i32
    %eq3A_18 = arith.cmpi eq, %arg0, %eq3A : i32
    %convert_element_type3A = arith.extui %eq3A_18 : i1 to i32
    %cond3A = arith.constant 0 : i32
    %cond3A_19 = arith.cmpi ne, %convert_element_type3A, %cond3A : i32
    scf.if %cond3A_19 {
      %broadcast_in_dim3A_208 = arith.constant 0.000000e+00 : f32
      %broadcast_in_dim3A_209 = vector.broadcast %broadcast_in_dim3A_208 : f32 to vector<2x1x64xf32>
      %swap3A_210 = arith.constant 0 : index
      %swap3A_211 = arith.constant 0 : index
      %swap3A_212 = arith.constant 0 : index
      %swap3A_213 = vector.load %arg11[%swap3A_210, %swap3A_211, %swap3A_212] : memref<2x1x64xf32, #tpu.memory_space<vmem>>, vector<2x1x64xf32>
      tpu.vector_store %arg11[%swap3A_210, %swap3A_211, %swap3A_212], %broadcast_in_dim3A_209 {strides = array<i32>} : memref<2x1x64xf32, #tpu.memory_space<vmem>>, vector<2x1x64xf32>,
      %broadcast_in_dim3A_214 = arith.constant 0.000000e+00 : f32
      %broadcast_in_dim3A_215 = vector.broadcast %broadcast_in_dim3A_214 : f32 to vector<2x1x64xf32>
      %swap3A_216 = arith.constant 0 : index
      %swap3A_217 = arith.constant 0 : index
      %swap3A_218 = arith.constant 0 : index
      %swap3A_219 = vector.load %arg12[%swap3A_216, %swap3A_217, %swap3A_218] : memref<2x1x64xf32, #tpu.memory_space<vmem>>, vector<2x1x64xf32>
      tpu.vector_store %arg12[%swap3A_216, %swap3A_217, %swap3A_218], %broadcast_in_dim3A_215 {strides = array<i32>} : memref<2x1x64xf32, #tpu.memory_space<vmem>>, vector<2x1x64xf32>,
    } else {
    }
    %eq3A_20 = arith.constant 0 : i32
    %eq3A_21 = arith.cmpi eq, %rem3A_17, %eq3A_20 : i32
    %convert_element_type3A_22 = arith.extui %eq3A_21 : i1 to i32
    %cond3A_23 = arith.constant 0 : i32
    %cond3A_24 = arith.cmpi ne, %convert_element_type3A_22, %cond3A_23 : i32
    scf.if %cond3A_24 {
      %broadcast_in_dim3A_208 = arith.constant 0.000000e+00 : f32
      %broadcast_in_dim3A_209 = vector.broadcast %broadcast_in_dim3A_208 : f32 to vector<1x64xf32>
      %swap3A_210 = arith.constant 0 : index
      %swap3A_211 = arith.constant 0 : index
      %swap3A_212 = vector.load %arg13[%swap3A_210, %swap3A_211] : memref<1x64xf32, #tpu.memory_space<vmem>>, vector<1x64xf32>
      tpu.vector_store %arg13[%swap3A_210, %swap3A_211], %broadcast_in_dim3A_209 {strides = array<i32>} : memref<1x64xf32, #tpu.memory_space<vmem>>, vector<1x64xf32>,
      %broadcast_in_dim3A_213 = arith.constant 0.000000e+00 : f32
      %broadcast_in_dim3A_214 = vector.broadcast %broadcast_in_dim3A_213 : f32 to vector<1x64xf32>
      %swap3A_215 = arith.constant 0 : index
      %swap3A_216 = arith.constant 0 : index
      %swap3A_217 = vector.load %arg14[%swap3A_215, %swap3A_216] : memref<1x64xf32, #tpu.memory_space<vmem>>, vector<1x64xf32>
      tpu.vector_store %arg14[%swap3A_215, %swap3A_216], %broadcast_in_dim3A_214 {strides = array<i32>} : memref<1x64xf32, #tpu.memory_space<vmem>>, vector<1x64xf32>,
    } else {
    }
    %get3A = arith.constant 0 : index
    %get3A_25 = arith.constant 0 : index
    %get3A_26 = arith.constant 0 : index
    %get3A_27 = vector.load %arg1[%get3A, %get3A_25, %get3A_26] : memref<1x512x4096xf32, #tpu.memory_space<vmem>>, vector<1x512x4096xf32>
    %get3A_28 = vector.shape_cast %get3A_27 : vector<1x512x4096xf32> to vector<512x4096xf32>
    %get3A_29 = arith.constant 0 : index
    %get3A_30 = arith.constant 0 : index
    %get3A_31 = vector.load %arg2[%get3A_29, %get3A_30] : memref<4096x64xf32, #tpu.memory_space<vmem>>, vector<4096x64xf32>
    %dot_general3A = arith.constant dense<0.000000e+00> : vector<512x64xf32>
    %dot_general3A_32 = tpu.matmul %get3A_28, %get3A_31, %dot_general3A {dimension_numbers = #tpu.dot_dimension_numbers<[1], [0], [0], [1], [0, 0, 1, 1], [], []>, transpose_lhs_hint = false} : vector<512x4096xf32>, vector<4096x64xf32>, vector<512x64xf32> -> vector<512x64xf32>
    %reduce_max3A = arith.constant dense<0xFF800000> : vector<512xf32>
    %reduce_max3A_33 = vector.multi_reduction <maximumf>, %dot_general3A_32, %reduce_max3A [1] : vector<512x64xf32> to vector<512xf32>
    %max3A = arith.constant 0xFF800000 : f32
    %max3A_34 = vector.broadcast %max3A : f32 to vector<512xf32>
    %max3A_35 = arith.maximumf %max3A_34, %reduce_max3A_33 : vector<512xf32>
    %broadcast_in_dim3A = vector.shape_cast %max3A_35 : vector<512xf32> to vector<512x1xf32>
    %sub3A_36 = vector.broadcast %broadcast_in_dim3A : vector<512x1xf32> to vector<512x64xf32>
    %sub3A_37 = arith.subf %dot_general3A_32, %sub3A_36 : vector<512x64xf32>
    %exp3A = math.exp %sub3A_37 : vector<512x64xf32>
    %reduce_sum3A = arith.constant dense<0.000000e+00> : vector<512xf32>
    %reduce_sum3A_38 = vector.multi_reduction <add>, %exp3A, %reduce_sum3A [1] : vector<512x64xf32> to vector<512xf32>
    %broadcast_in_dim3A_39 = vector.shape_cast %reduce_sum3A_38 : vector<512xf32> to vector<512x1xf32>
    %div3A_40 = vector.broadcast %broadcast_in_dim3A_39 : vector<512x1xf32> to vector<512x64xf32>
    %div3A_41 = arith.divf %exp3A, %div3A_40 : vector<512x64xf32>
    %iota3A = tpu.iota {dimensions = array<i32: 1>} : vector<512x64xi32>
    %reduce_max3A_42 = arith.constant dense<0xFF800000> : vector<512xf32>
    %reduce_max3A_43 = vector.multi_reduction <maximumf>, %div3A_41, %reduce_max3A_42 [1] : vector<512x64xf32> to vector<512xf32>
    %broadcast_in_dim3A_44 = vector.shape_cast %reduce_max3A_43 : vector<512xf32> to vector<512x1xf32>
    %eq3A_45 = vector.broadcast %broadcast_in_dim3A_44 : vector<512x1xf32> to vector<512x64xf32>
    %eq3A_46 = arith.cmpf oeq, %div3A_41, %eq3A_45 : vector<512x64xf32>
    %jit3A_47 = arith.constant 64 : i32
    %broadcast_in_dim3A_48 = vector.broadcast %jit3A_47 : i32 to vector<512x64xi32>
    %select_n3A_49 = arith.select %eq3A_46, %iota3A, %broadcast_in_dim3A_48 : vector<512x64xi1>, vector<512x64xi32>
    %reduce_min3A = arith.constant dense<2147483647> : vector<512xi32>
    %reduce_min3A_50 = vector.multi_reduction <minsi>, %select_n3A_49, %reduce_min3A [1] : vector<512x64xi32> to vector<512xi32>
    %broadcast_in_dim3A_51 = vector.shape_cast %reduce_min3A_50 : vector<512xi32> to vector<512x1xi32>
    %eq3A_52 = vector.broadcast %broadcast_in_dim3A_51 : vector<512x1xi32> to vector<512x64xi32>
    %eq3A_53 = arith.cmpi eq, %iota3A, %eq3A_52 : vector<512x64xi32>
    %convert_element_type3A_54 = arith.extui %eq3A_53 : vector<512x64xi1> to vector<512x64xi32>
    %convert_element_type3A_55 = arith.sitofp %convert_element_type3A_54 : vector<512x64xi32> to vector<512x64xf32>
    %sub3A_56 = arith.constant 1.000000e+00 : f32
    %sub3A_57 = vector.broadcast %sub3A_56 : f32 to vector<512x64xf32>
    %sub3A_58 = arith.subf %sub3A_57, %convert_element_type3A_55 : vector<512x64xf32>
    %mul3A = arith.mulf %div3A_41, %sub3A_58 : vector<512x64xf32>
    %reduce_max3A_59 = arith.constant dense<0xFF800000> : vector<512xf32>
    %reduce_max3A_60 = vector.multi_reduction <maximumf>, %mul3A, %reduce_max3A_59 [1] : vector<512x64xf32> to vector<512xf32>
    %broadcast_in_dim3A_61 = vector.shape_cast %reduce_max3A_60 : vector<512xf32> to vector<512x1xf32>
    %eq3A_62 = vector.broadcast %broadcast_in_dim3A_61 : vector<512x1xf32> to vector<512x64xf32>
    %eq3A_63 = arith.cmpf oeq, %mul3A, %eq3A_62 : vector<512x64xf32>
    %jit3A_64 = arith.constant 64 : i32
    %broadcast_in_dim3A_65 = vector.broadcast %jit3A_64 : i32 to vector<512x64xi32>
    %select_n3A_66 = arith.select %eq3A_63, %iota3A, %broadcast_in_dim3A_65 : vector<512x64xi1>, vector<512x64xi32>
    %reduce_min3A_67 = arith.constant dense<2147483647> : vector<512xi32>
    %reduce_min3A_68 = vector.multi_reduction <minsi>, %select_n3A_66, %reduce_min3A_67 [1] : vector<512x64xi32> to vector<512xi32>
    %broadcast_in_dim3A_69 = vector.shape_cast %reduce_min3A_68 : vector<512xi32> to vector<512x1xi32>
    %eq3A_70 = vector.broadcast %broadcast_in_dim3A_69 : vector<512x1xi32> to vector<512x64xi32>
    %eq3A_71 = arith.cmpi eq, %iota3A, %eq3A_70 : vector<512x64xi32>
    %convert_element_type3A_72 = arith.extui %eq3A_71 : vector<512x64xi1> to vector<512x64xi32>
    %convert_element_type3A_73 = arith.sitofp %convert_element_type3A_72 : vector<512x64xi32> to vector<512x64xf32>
    %add3A = arith.addf %broadcast_in_dim3A_44, %broadcast_in_dim3A_61 : vector<512x1xf32>
    %add3A_74 = arith.constant 9.99999971E-10 : f32
    %add3A_75 = vector.broadcast %add3A_74 : f32 to vector<512x1xf32>
    %add3A_76 = arith.addf %add3A, %add3A_75 : vector<512x1xf32>
    %div3A_77 = arith.divf %broadcast_in_dim3A_44, %add3A_76 : vector<512x1xf32>
    %div3A_78 = arith.divf %broadcast_in_dim3A_61, %add3A_76 : vector<512x1xf32>
    %iota3A_79 = tpu.iota {dimensions = array<i32: 0>} : vector<512x512xi32>
    %iota3A_80 = tpu.iota {dimensions = array<i32: 1>} : vector<512x512xi32>
    %lt3A = arith.cmpi slt, %iota3A_80, %iota3A_79 : vector<512x512xi32>
    %convert_element_type3A_81 = arith.extui %lt3A : vector<512x512xi1> to vector<512x512xi32>
    %convert_element_type3A_82 = arith.sitofp %convert_element_type3A_81 : vector<512x512xi32> to vector<512x512xf32>
    %dot_general3A_83 = arith.constant dense<0.000000e+00> : vector<512x64xf32>
    %dot_general3A_84 = tpu.matmul %convert_element_type3A_82, %convert_element_type3A_55, %dot_general3A_83 {dimension_numbers = #tpu.dot_dimension_numbers<[1], [0], [0], [1], [0, 0, 1, 1], [], []>, transpose_lhs_hint = false} : vector<512x512xf32>, vector<512x64xf32>, vector<512x64xf32> -> vector<512x64xf32>
    %get3A_85 = arith.constant 0 : index
    %get3A_86 = arith.constant 0 : index
    %get3A_87 = vector.load %arg13[%get3A_85, %get3A_86] : memref<1x64xf32, #tpu.memory_space<vmem>>, vector<1x64xf32>
    %add3A_88 = vector.broadcast %get3A_87 : vector<1x64xf32> to vector<512x64xf32>
    %add3A_89 = arith.addf %dot_general3A_84, %add3A_88 : vector<512x64xf32>
    %mul3A_90 = arith.mulf %add3A_89, %convert_element_type3A_55 : vector<512x64xf32>
    %reduce_sum3A_91 = arith.constant dense<0.000000e+00> : vector<512xf32>
    %reduce_sum3A_92 = vector.multi_reduction <add>, %mul3A_90, %reduce_sum3A_91 [1] : vector<512x64xf32> to vector<512xf32>
    %broadcast_in_dim3A_93 = vector.shape_cast %reduce_sum3A_92 : vector<512xf32> to vector<512x1xf32>
    %lt3A_94 = arith.constant 4.000000e+01 : f32
    %lt3A_95 = vector.broadcast %lt3A_94 : f32 to vector<512x1xf32>
    %lt3A_96 = arith.cmpf olt, %broadcast_in_dim3A_93, %lt3A_95 : vector<512x1xf32>
    %jit3A_97 = arith.constant 0.000000e+00 : f32
    %broadcast_in_dim3A_98 = vector.broadcast %jit3A_97 : f32 to vector<512x1xf32>
    %select_n3A_99 = arith.select %lt3A_96, %div3A_77, %broadcast_in_dim3A_98 : vector<512x1xi1>, vector<512x1xf32>
    %mul3A_100 = arith.constant 40 : i32
    %mul3A_101 = vector.broadcast %mul3A_100 : i32 to vector<512x1xi32>
    %mul3A_102 = arith.muli %broadcast_in_dim3A_51, %mul3A_101 : vector<512x1xi32>
    %convert_element_type3A_103 = arith.fptosi %broadcast_in_dim3A_93 : vector<512x1xf32> to vector<512x1xi32>
    %add3A_104 = arith.addi %mul3A_102, %convert_element_type3A_103 : vector<512x1xi32>
    %jit3A_105 = arith.constant -1 : i32
    %broadcast_in_dim3A_106 = vector.broadcast %jit3A_105 : i32 to vector<512x1xi32>
    %select_n3A_107 = arith.select %lt3A_96, %add3A_104, %broadcast_in_dim3A_106 : vector<512x1xi1>, vector<512x1xi32>
    %dot_general3A_108 = arith.constant dense<0.000000e+00> : vector<512x64xf32>
    %dot_general3A_109 = tpu.matmul %convert_element_type3A_82, %convert_element_type3A_73, %dot_general3A_108 {dimension_numbers = #tpu.dot_dimension_numbers<[1], [0], [0], [1], [0, 0, 1, 1], [], []>, transpose_lhs_hint = false} : vector<512x512xf32>, vector<512x64xf32>, vector<512x64xf32> -> vector<512x64xf32>
    %get3A_110 = arith.constant 0 : index
    %get3A_111 = arith.constant 0 : index
    %get3A_112 = vector.load %arg14[%get3A_110, %get3A_111] : memref<1x64xf32, #tpu.memory_space<vmem>>, vector<1x64xf32>
    %add3A_113 = vector.broadcast %get3A_112 : vector<1x64xf32> to vector<512x64xf32>
    %add3A_114 = arith.addf %dot_general3A_109, %add3A_113 : vector<512x64xf32>
    %mul3A_115 = arith.mulf %add3A_114, %convert_element_type3A_73 : vector<512x64xf32>
    %reduce_sum3A_116 = arith.constant dense<0.000000e+00> : vector<512xf32>
    %reduce_sum3A_117 = vector.multi_reduction <add>, %mul3A_115, %reduce_sum3A_116 [1] : vector<512x64xf32> to vector<512xf32>
    %broadcast_in_dim3A_118 = vector.shape_cast %reduce_sum3A_117 : vector<512xf32> to vector<512x1xf32>
    %get3A_119 = arith.constant 0 : index
    %get3A_120 = arith.constant 0 : index
    %get3A_121 = vector.load %arg13[%get3A_119, %get3A_120] : memref<1x64xf32, #tpu.memory_space<vmem>>, vector<1x64xf32>
    %reduce_sum3A_122 = arith.constant dense<0.000000e+00> : vector<64xf32>
    %reduce_sum3A_123 = vector.multi_reduction <add>, %convert_element_type3A_55, %reduce_sum3A_122 [0] : vector<512x64xf32> to vector<64xf32>
    %broadcast_in_dim3A_124 = vector.shape_cast %reduce_sum3A_123 : vector<64xf32> to vector<1x64xf32>
    %add3A_125 = arith.addf %get3A_121, %broadcast_in_dim3A_124 : vector<1x64xf32>
    %swap3A = arith.constant 0 : index
    %swap3A_126 = arith.constant 0 : index
    %swap3A_127 = vector.load %arg13[%swap3A, %swap3A_126] : memref<1x64xf32, #tpu.memory_space<vmem>>, vector<1x64xf32>
    tpu.vector_store %arg13[%swap3A, %swap3A_126], %add3A_125 {strides = array<i32>} : memref<1x64xf32, #tpu.memory_space<vmem>>, vector<1x64xf32>,
    %get3A_128 = arith.constant 0 : index
    %get3A_129 = arith.constant 0 : index
    %get3A_130 = vector.load %arg14[%get3A_128, %get3A_129] : memref<1x64xf32, #tpu.memory_space<vmem>>, vector<1x64xf32>
    %reduce_sum3A_131 = arith.constant dense<0.000000e+00> : vector<64xf32>
    %reduce_sum3A_132 = vector.multi_reduction <add>, %convert_element_type3A_73, %reduce_sum3A_131 [0] : vector<512x64xf32> to vector<64xf32>
    %broadcast_in_dim3A_133 = vector.shape_cast %reduce_sum3A_132 : vector<64xf32> to vector<1x64xf32>
    %add3A_134 = arith.addf %get3A_130, %broadcast_in_dim3A_133 : vector<1x64xf32>
    %swap3A_135 = arith.constant 0 : index
    %swap3A_136 = arith.constant 0 : index
    %swap3A_137 = vector.load %arg14[%swap3A_135, %swap3A_136] : memref<1x64xf32, #tpu.memory_space<vmem>>, vector<1x64xf32>
    tpu.vector_store %arg14[%swap3A_135, %swap3A_136], %add3A_134 {strides = array<i32>} : memref<1x64xf32, #tpu.memory_space<vmem>>, vector<1x64xf32>,
    %get3A_138 = arith.index_cast %select_n3A : i32 to index
    %get3A_139 = arith.constant 0 : index
    %get3A_140 = arith.constant 0 : index
    %get3A_141 = vector.load %arg11[%get3A_138, %get3A_139, %get3A_140] : memref<2x1x64xf32, #tpu.memory_space<vmem>>, vector<1x1x64xf32>
    %get3A_142 = vector.shape_cast %get3A_141 : vector<1x1x64xf32> to vector<1x64xf32>
    %reduce_sum3A_143 = arith.constant dense<0.000000e+00> : vector<64xf32>
    %reduce_sum3A_144 = vector.multi_reduction <add>, %convert_element_type3A_55, %reduce_sum3A_143 [0] : vector<512x64xf32> to vector<64xf32>
    %broadcast_in_dim3A_145 = vector.shape_cast %reduce_sum3A_144 : vector<64xf32> to vector<1x64xf32>
    %add3A_146 = arith.addf %get3A_142, %broadcast_in_dim3A_145 : vector<1x64xf32>
    %swap3A_147 = arith.index_cast %select_n3A : i32 to index
    %swap3A_148 = arith.constant 0 : index
    %swap3A_149 = arith.constant 0 : index
    %swap3A_150 = vector.load %arg11[%swap3A_147, %swap3A_148, %swap3A_149] : memref<2x1x64xf32, #tpu.memory_space<vmem>>, vector<1x1x64xf32>
    %swap3A_151 = vector.shape_cast %swap3A_150 : vector<1x1x64xf32> to vector<1x64xf32>
    %swap3A_152 = vector.shape_cast %add3A_146 : vector<1x64xf32> to vector<1x1x64xf32>
    tpu.vector_store %arg11[%swap3A_147, %swap3A_148, %swap3A_149], %swap3A_152 {strides = array<i32>} : memref<2x1x64xf32, #tpu.memory_space<vmem>>, vector<1x1x64xf32>,
    %get3A_153 = arith.index_cast %select_n3A : i32 to index
    %get3A_154 = arith.constant 0 : index
    %get3A_155 = arith.constant 0 : index
    %get3A_156 = vector.load %arg12[%get3A_153, %get3A_154, %get3A_155] : memref<2x1x64xf32, #tpu.memory_space<vmem>>, vector<1x1x64xf32>
    %get3A_157 = vector.shape_cast %get3A_156 : vector<1x1x64xf32> to vector<1x64xf32>
    %reduce_sum3A_158 = arith.constant dense<0.000000e+00> : vector<64xf32>
    %reduce_sum3A_159 = vector.multi_reduction <add>, %div3A_41, %reduce_sum3A_158 [0] : vector<512x64xf32> to vector<64xf32>
    %broadcast_in_dim3A_160 = vector.shape_cast %reduce_sum3A_159 : vector<64xf32> to vector<1x64xf32>
    %add3A_161 = arith.addf %get3A_157, %broadcast_in_dim3A_160 : vector<1x64xf32>
    %swap3A_162 = arith.index_cast %select_n3A : i32 to index
    %swap3A_163 = arith.constant 0 : index
    %swap3A_164 = arith.constant 0 : index
    %swap3A_165 = vector.load %arg12[%swap3A_162, %swap3A_163, %swap3A_164] : memref<2x1x64xf32, #tpu.memory_space<vmem>>, vector<1x1x64xf32>
    %swap3A_166 = vector.shape_cast %swap3A_165 : vector<1x1x64xf32> to vector<1x64xf32>
    %swap3A_167 = vector.shape_cast %add3A_161 : vector<1x64xf32> to vector<1x1x64xf32>
    tpu.vector_store %arg12[%swap3A_162, %swap3A_163, %swap3A_164], %swap3A_167 {strides = array<i32>} : memref<2x1x64xf32, #tpu.memory_space<vmem>>, vector<1x1x64xf32>,
    %reshape3A = vector.shape_cast %select_n3A_107 : vector<512x1xi32> to vector<1x1x512xi32>
    %swap3A_168 = arith.constant 0 : index
    %swap3A_169 = arith.constant 0 : index
    %swap3A_170 = arith.constant 0 : index
    %swap3A_171 = vector.load %arg3[%swap3A_168, %swap3A_169, %swap3A_170] : memref<1x1x512xi32, #tpu.memory_space<vmem>>, vector<1x1x512xi32>
    tpu.vector_store %arg3[%swap3A_168, %swap3A_169, %swap3A_170], %reshape3A {strides = array<i32>} : memref<1x1x512xi32, #tpu.memory_space<vmem>>, vector<1x1x512xi32>,
    %reshape3A_172 = vector.shape_cast %select_n3A_99 : vector<512x1xf32> to vector<1x1x512xf32>
    %swap3A_173 = arith.constant 0 : index
    %swap3A_174 = arith.constant 0 : index
    %swap3A_175 = arith.constant 0 : index
    %swap3A_176 = vector.load %arg4[%swap3A_173, %swap3A_174, %swap3A_175] : memref<1x1x512xf32, #tpu.memory_space<vmem>>, vector<1x1x512xf32>
    tpu.vector_store %arg4[%swap3A_173, %swap3A_174, %swap3A_175], %reshape3A_172 {strides = array<i32>} : memref<1x1x512xf32, #tpu.memory_space<vmem>>, vector<1x1x512xf32>,
    %reshape3A_177 = vector.shape_cast %broadcast_in_dim3A_69 : vector<512x1xi32> to vector<1x512xi32>
    %swap3A_178 = arith.index_cast %arg0 : i32 to index
    %swap3A_179 = arith.constant 0 : index
    %swap3A_180 = arith.constant 0 : index
    %swap3A_181 = vector.load %arg8[%swap3A_178, %swap3A_179, %swap3A_180] : memref<8x1x512xi32, #tpu.memory_space<vmem>>, vector<1x1x512xi32>
    %swap3A_182 = vector.shape_cast %swap3A_181 : vector<1x1x512xi32> to vector<1x512xi32>
    %swap3A_183 = vector.shape_cast %reshape3A_177 : vector<1x512xi32> to vector<1x1x512xi32>
    tpu.vector_store %arg8[%swap3A_178, %swap3A_179, %swap3A_180], %swap3A_183 {strides = array<i32>} : memref<8x1x512xi32, #tpu.memory_space<vmem>>, vector<1x1x512xi32>,
    %reshape3A_184 = vector.shape_cast %broadcast_in_dim3A_118 : vector<512x1xf32> to vector<1x512xf32>
    %swap3A_185 = arith.index_cast %arg0 : i32 to index
    %swap3A_186 = arith.constant 0 : index
    %swap3A_187 = arith.constant 0 : index
    %swap3A_188 = vector.load %arg9[%swap3A_185, %swap3A_186, %swap3A_187] : memref<8x1x512xf32, #tpu.memory_space<vmem>>, vector<1x1x512xf32>
    %swap3A_189 = vector.shape_cast %swap3A_188 : vector<1x1x512xf32> to vector<1x512xf32>
    %swap3A_190 = vector.shape_cast %reshape3A_184 : vector<1x512xf32> to vector<1x1x512xf32>
    tpu.vector_store %arg9[%swap3A_185, %swap3A_186, %swap3A_187], %swap3A_190 {strides = array<i32>} : memref<8x1x512xf32, #tpu.memory_space<vmem>>, vector<1x1x512xf32>,
    %reshape3A_191 = vector.shape_cast %div3A_78 : vector<512x1xf32> to vector<1x512xf32>
    %swap3A_192 = arith.index_cast %arg0 : i32 to index
    %swap3A_193 = arith.constant 0 : index
    %swap3A_194 = arith.constant 0 : index
    %swap3A_195 = vector.load %arg10[%swap3A_192, %swap3A_193, %swap3A_194] : memref<8x1x512xf32, #tpu.memory_space<vmem>>, vector<1x1x512xf32>
    %swap3A_196 = vector.shape_cast %swap3A_195 : vector<1x1x512xf32> to vector<1x512xf32>
    %swap3A_197 = vector.shape_cast %reshape3A_191 : vector<1x512xf32> to vector<1x1x512xf32>
    tpu.vector_store %arg10[%swap3A_192, %swap3A_193, %swap3A_194], %swap3A_197 {strides = array<i32>} : memref<8x1x512xf32, #tpu.memory_space<vmem>>, vector<1x1x512xf32>,
    %eq3A_198 = arith.constant 3 : i32
    %eq3A_199 = arith.cmpi eq, %rem3A_17, %eq3A_198 : i32
    %convert_element_type3A_200 = arith.extui %eq3A_199 : i1 to i32
    %cond3A_201 = arith.constant 0 : i32
    %cond3A_202 = arith.cmpi ne, %convert_element_type3A_200, %cond3A_201 : i32
    scf.if %cond3A_202 {
      %get3A_208 = arith.index_cast %select_n3A : i32 to index
      %get3A_209 = arith.constant 0 : index
      %get3A_210 = arith.constant 0 : index
      %get3A_211 = vector.load %arg11[%get3A_208, %get3A_209, %get3A_210] : memref<2x1x64xf32, #tpu.memory_space<vmem>>, vector<1x1x64xf32>
      %get3A_212 = vector.shape_cast %get3A_211 : vector<1x1x64xf32> to vector<1x64xf32>
      %min3A = arith.constant 4.000000e+01 : f32
      %min3A_213 = vector.broadcast %min3A : f32 to vector<1x64xf32>
      %min3A_214 = arith.minimumf %get3A_212, %min3A_213 : vector<1x64xf32>
      %mul3A_215 = arith.constant 4 : i32
      %mul3A_216 = arith.muli %select_n3A, %mul3A_215 : i32
      %add3A_217 = arith.constant 0 : i32
      %add3A_218 = arith.addi %mul3A_216, %add3A_217 : i32
      %get3A_219 = arith.index_cast %add3A_218 : i32 to index
      %get3A_220 = arith.constant 0 : index
      %get3A_221 = arith.constant 0 : index
      %get3A_222 = vector.load %arg8[%get3A_219, %get3A_220, %get3A_221] : memref<8x1x512xi32, #tpu.memory_space<vmem>>, vector<1x1x512xi32>
      %get3A_223 = vector.shape_cast %get3A_222 : vector<1x1x512xi32> to vector<1x512xi32>
      %reshape3A_224 = vector.shape_cast %get3A_223 : vector<1x512xi32> to vector<512x1xi32>
      %mul3A_225 = arith.constant 4 : i32
      %mul3A_226 = arith.muli %select_n3A, %mul3A_225 : i32
      %add3A_227 = arith.constant 0 : i32
      %add3A_228 = arith.addi %mul3A_226, %add3A_227 : i32
      %get3A_229 = arith.index_cast %add3A_228 : i32 to index
      %get3A_230 = arith.constant 0 : index
      %get3A_231 = arith.constant 0 : index
      %get3A_232 = vector.load %arg9[%get3A_229, %get3A_230, %get3A_231] : memref<8x1x512xf32, #tpu.memory_space<vmem>>, vector<1x1x512xf32>
      %get3A_233 = vector.shape_cast %get3A_232 : vector<1x1x512xf32> to vector<1x512xf32>
      %reshape3A_234 = vector.shape_cast %get3A_233 : vector<1x512xf32> to vector<512x1xf32>
      %mul3A_235 = arith.constant 4 : i32
      %mul3A_236 = arith.muli %select_n3A, %mul3A_235 : i32
      %add3A_237 = arith.constant 0 : i32
      %add3A_238 = arith.addi %mul3A_236, %add3A_237 : i32
      %get3A_239 = arith.index_cast %add3A_238 : i32 to index
      %get3A_240 = arith.constant 0 : index
      %get3A_241 = arith.constant 0 : index
      %get3A_242 = vector.load %arg10[%get3A_239, %get3A_240, %get3A_241] : memref<8x1x512xf32, #tpu.memory_space<vmem>>, vector<1x1x512xf32>
      %get3A_243 = vector.shape_cast %get3A_242 : vector<1x1x512xf32> to vector<1x512xf32>
      %reshape3A_244 = vector.shape_cast %get3A_243 : vector<1x512xf32> to vector<512x1xf32>
      %eq3A_245 = vector.broadcast %reshape3A_224 : vector<512x1xi32> to vector<512x64xi32>
      %eq3A_246 = arith.cmpi eq, %iota3A, %eq3A_245 : vector<512x64xi32>
      %jit3A_247 = arith.constant 0.000000e+00 : f32
      %broadcast_in_dim3A_248 = vector.shape_cast %min3A_214 : vector<1x64xf32> to vector<1x64xf32>
      %broadcast_in_dim3A_249 = vector.broadcast %broadcast_in_dim3A_248 : vector<1x64xf32> to vector<512x64xf32>
      %broadcast_in_dim3A_250 = vector.broadcast %jit3A_247 : f32 to vector<512x64xf32>
      %select_n3A_251 = arith.select %eq3A_246, %broadcast_in_dim3A_249, %broadcast_in_dim3A_250 : vector<512x64xi1>, vector<512x64xf32>
      %reduce_sum3A_252 = arith.constant dense<0.000000e+00> : vector<512xf32>
      %reduce_sum3A_253 = vector.multi_reduction <add>, %select_n3A_251, %reduce_sum3A_252 [1] : vector<512x64xf32> to vector<512xf32>
      %broadcast_in_dim3A_254 = vector.shape_cast %reduce_sum3A_253 : vector<512xf32> to vector<512x1xf32>
      %add3A_255 = arith.addf %reshape3A_234, %broadcast_in_dim3A_254 : vector<512x1xf32>
      %lt3A_256 = arith.constant 4.000000e+01 : f32
      %lt3A_257 = vector.broadcast %lt3A_256 : f32 to vector<512x1xf32>
      %lt3A_258 = arith.cmpf olt, %add3A_255, %lt3A_257 : vector<512x1xf32>
      %jit3A_259 = arith.constant 0.000000e+00 : f32
      %broadcast_in_dim3A_260 = vector.broadcast %jit3A_259 : f32 to vector<512x1xf32>
      %select_n3A_261 = arith.select %lt3A_258, %reshape3A_244, %broadcast_in_dim3A_260 : vector<512x1xi1>, vector<512x1xf32>
      %mul3A_262 = arith.constant 40 : i32
      %mul3A_263 = vector.broadcast %mul3A_262 : i32 to vector<512x1xi32>
      %mul3A_264 = arith.muli %reshape3A_224, %mul3A_263 : vector<512x1xi32>
      %convert_element_type3A_265 = arith.fptosi %add3A_255 : vector<512x1xf32> to vector<512x1xi32>
      %add3A_266 = arith.addi %mul3A_264, %convert_element_type3A_265 : vector<512x1xi32>
      %jit3A_267 = arith.constant -1 : i32
      %broadcast_in_dim3A_268 = vector.broadcast %jit3A_267 : i32 to vector<512x1xi32>
      %select_n3A_269 = arith.select %lt3A_258, %add3A_266, %broadcast_in_dim3A_268 : vector<512x1xi1>, vector<512x1xi32>
      %reshape3A_270 = vector.shape_cast %select_n3A_269 : vector<512x1xi32> to vector<1x512xi32>
      %swap3A_271 = arith.constant 0 : index
      %swap3A_272 = arith.constant 0 : index
      %swap3A_273 = arith.constant 0 : index
      %swap3A_274 = arith.constant 0 : index
      %swap3A_275 = vector.load %arg5[%swap3A_271, %swap3A_272, %swap3A_273, %swap3A_274] : memref<1x4x1x512xi32, #tpu.memory_space<vmem>>, vector<1x1x1x512xi32>
      %swap3A_276 = vector.shape_cast %swap3A_275 : vector<1x1x1x512xi32> to vector<1x512xi32>
      %swap3A_277 = vector.shape_cast %reshape3A_270 : vector<1x512xi32> to vector<1x1x1x512xi32>
      tpu.vector_store %arg5[%swap3A_271, %swap3A_272, %swap3A_273, %swap3A_274], %swap3A_277 {strides = array<i32>} : memref<1x4x1x512xi32, #tpu.memory_space<vmem>>, vector<1x1x1x512xi32>,
      %reshape3A_278 = vector.shape_cast %select_n3A_261 : vector<512x1xf32> to vector<1x512xf32>
      %swap3A_279 = arith.constant 0 : index
      %swap3A_280 = arith.constant 0 : index
      %swap3A_281 = arith.constant 0 : index
      %swap3A_282 = arith.constant 0 : index
      %swap3A_283 = vector.load %arg6[%swap3A_279, %swap3A_280, %swap3A_281, %swap3A_282] : memref<1x4x1x512xf32, #tpu.memory_space<vmem>>, vector<1x1x1x512xf32>
      %swap3A_284 = vector.shape_cast %swap3A_283 : vector<1x1x1x512xf32> to vector<1x512xf32>
      %swap3A_285 = vector.shape_cast %reshape3A_278 : vector<1x512xf32> to vector<1x1x1x512xf32>
      tpu.vector_store %arg6[%swap3A_279, %swap3A_280, %swap3A_281, %swap3A_282], %swap3A_285 {strides = array<i32>} : memref<1x4x1x512xf32, #tpu.memory_space<vmem>>, vector<1x1x1x512xf32>,
      %mul3A_286 = arith.constant 4 : i32
      %mul3A_287 = arith.muli %select_n3A, %mul3A_286 : i32
      %add3A_288 = arith.constant 1 : i32
      %add3A_289 = arith.addi %mul3A_287, %add3A_288 : i32
      %get3A_290 = arith.index_cast %add3A_289 : i32 to index
      %get3A_291 = arith.constant 0 : index
      %get3A_292 = arith.constant 0 : index
      %get3A_293 = vector.load %arg8[%get3A_290, %get3A_291, %get3A_292] : memref<8x1x512xi32, #tpu.memory_space<vmem>>, vector<1x1x512xi32>
      %get3A_294 = vector.shape_cast %get3A_293 : vector<1x1x512xi32> to vector<1x512xi32>
      %reshape3A_295 = vector.shape_cast %get3A_294 : vector<1x512xi32> to vector<512x1xi32>
      %mul3A_296 = arith.constant 4 : i32
      %mul3A_297 = arith.muli %select_n3A, %mul3A_296 : i32
      %add3A_298 = arith.constant 1 : i32
      %add3A_299 = arith.addi %mul3A_297, %add3A_298 : i32
      %get3A_300 = arith.index_cast %add3A_299 : i32 to index
      %get3A_301 = arith.constant 0 : index
      %get3A_302 = arith.constant 0 : index
      %get3A_303 = vector.load %arg9[%get3A_300, %get3A_301, %get3A_302] : memref<8x1x512xf32, #tpu.memory_space<vmem>>, vector<1x1x512xf32>
      %get3A_304 = vector.shape_cast %get3A_303 : vector<1x1x512xf32> to vector<1x512xf32>
      %reshape3A_305 = vector.shape_cast %get3A_304 : vector<1x512xf32> to vector<512x1xf32>
      %mul3A_306 = arith.constant 4 : i32
      %mul3A_307 = arith.muli %select_n3A, %mul3A_306 : i32
      %add3A_308 = arith.constant 1 : i32
      %add3A_309 = arith.addi %mul3A_307, %add3A_308 : i32
      %get3A_310 = arith.index_cast %add3A_309 : i32 to index
      %get3A_311 = arith.constant 0 : index
      %get3A_312 = arith.constant 0 : index
      %get3A_313 = vector.load %arg10[%get3A_310, %get3A_311, %get3A_312] : memref<8x1x512xf32, #tpu.memory_space<vmem>>, vector<1x1x512xf32>
      %get3A_314 = vector.shape_cast %get3A_313 : vector<1x1x512xf32> to vector<1x512xf32>
      %reshape3A_315 = vector.shape_cast %get3A_314 : vector<1x512xf32> to vector<512x1xf32>
      %eq3A_316 = vector.broadcast %reshape3A_295 : vector<512x1xi32> to vector<512x64xi32>
      %eq3A_317 = arith.cmpi eq, %iota3A, %eq3A_316 : vector<512x64xi32>
      %jit3A_318 = arith.constant 0.000000e+00 : f32
      %broadcast_in_dim3A_319 = vector.shape_cast %min3A_214 : vector<1x64xf32> to vector<1x64xf32>
      %broadcast_in_dim3A_320 = vector.broadcast %broadcast_in_dim3A_319 : vector<1x64xf32> to vector<512x64xf32>
      %broadcast_in_dim3A_321 = vector.broadcast %jit3A_318 : f32 to vector<512x64xf32>
      %select_n3A_322 = arith.select %eq3A_317, %broadcast_in_dim3A_320, %broadcast_in_dim3A_321 : vector<512x64xi1>, vector<512x64xf32>
      %reduce_sum3A_323 = arith.constant dense<0.000000e+00> : vector<512xf32>
      %reduce_sum3A_324 = vector.multi_reduction <add>, %select_n3A_322, %reduce_sum3A_323 [1] : vector<512x64xf32> to vector<512xf32>
      %broadcast_in_dim3A_325 = vector.shape_cast %reduce_sum3A_324 : vector<512xf32> to vector<512x1xf32>
      %add3A_326 = arith.addf %reshape3A_305, %broadcast_in_dim3A_325 : vector<512x1xf32>
      %lt3A_327 = arith.constant 4.000000e+01 : f32
      %lt3A_328 = vector.broadcast %lt3A_327 : f32 to vector<512x1xf32>
      %lt3A_329 = arith.cmpf olt, %add3A_326, %lt3A_328 : vector<512x1xf32>
      %jit3A_330 = arith.constant 0.000000e+00 : f32
      %broadcast_in_dim3A_331 = vector.broadcast %jit3A_330 : f32 to vector<512x1xf32>
      %select_n3A_332 = arith.select %lt3A_329, %reshape3A_315, %broadcast_in_dim3A_331 : vector<512x1xi1>, vector<512x1xf32>
      %mul3A_333 = arith.constant 40 : i32
      %mul3A_334 = vector.broadcast %mul3A_333 : i32 to vector<512x1xi32>
      %mul3A_335 = arith.muli %reshape3A_295, %mul3A_334 : vector<512x1xi32>
      %convert_element_type3A_336 = arith.fptosi %add3A_326 : vector<512x1xf32> to vector<512x1xi32>
      %add3A_337 = arith.addi %mul3A_335, %convert_element_type3A_336 : vector<512x1xi32>
      %jit3A_338 = arith.constant -1 : i32
      %broadcast_in_dim3A_339 = vector.broadcast %jit3A_338 : i32 to vector<512x1xi32>
      %select_n3A_340 = arith.select %lt3A_329, %add3A_337, %broadcast_in_dim3A_339 : vector<512x1xi1>, vector<512x1xi32>
      %reshape3A_341 = vector.shape_cast %select_n3A_340 : vector<512x1xi32> to vector<1x512xi32>
      %swap3A_342 = arith.constant 0 : index
      %swap3A_343 = arith.constant 1 : index
      %swap3A_344 = arith.constant 0 : index
      %swap3A_345 = arith.constant 0 : index
      %swap3A_346 = vector.load %arg5[%swap3A_342, %swap3A_343, %swap3A_344, %swap3A_345] : memref<1x4x1x512xi32, #tpu.memory_space<vmem>>, vector<1x1x1x512xi32>
      %swap3A_347 = vector.shape_cast %swap3A_346 : vector<1x1x1x512xi32> to vector<1x512xi32>
      %swap3A_348 = vector.shape_cast %reshape3A_341 : vector<1x512xi32> to vector<1x1x1x512xi32>
      tpu.vector_store %arg5[%swap3A_342, %swap3A_343, %swap3A_344, %swap3A_345], %swap3A_348 {strides = array<i32>} : memref<1x4x1x512xi32, #tpu.memory_space<vmem>>, vector<1x1x1x512xi32>,
      %reshape3A_349 = vector.shape_cast %select_n3A_332 : vector<512x1xf32> to vector<1x512xf32>
      %swap3A_350 = arith.constant 0 : index
      %swap3A_351 = arith.constant 1 : index
      %swap3A_352 = arith.constant 0 : index
      %swap3A_353 = arith.constant 0 : index
      %swap3A_354 = vector.load %arg6[%swap3A_350, %swap3A_351, %swap3A_352, %swap3A_353] : memref<1x4x1x512xf32, #tpu.memory_space<vmem>>, vector<1x1x1x512xf32>
      %swap3A_355 = vector.shape_cast %swap3A_354 : vector<1x1x1x512xf32> to vector<1x512xf32>
      %swap3A_356 = vector.shape_cast %reshape3A_349 : vector<1x512xf32> to vector<1x1x1x512xf32>
      tpu.vector_store %arg6[%swap3A_350, %swap3A_351, %swap3A_352, %swap3A_353], %swap3A_356 {strides = array<i32>} : memref<1x4x1x512xf32, #tpu.memory_space<vmem>>, vector<1x1x1x512xf32>,
      %mul3A_357 = arith.constant 4 : i32
      %mul3A_358 = arith.muli %select_n3A, %mul3A_357 : i32
      %add3A_359 = arith.constant 2 : i32
      %add3A_360 = arith.addi %mul3A_358, %add3A_359 : i32
      %get3A_361 = arith.index_cast %add3A_360 : i32 to index
      %get3A_362 = arith.constant 0 : index
      %get3A_363 = arith.constant 0 : index
      %get3A_364 = vector.load %arg8[%get3A_361, %get3A_362, %get3A_363] : memref<8x1x512xi32, #tpu.memory_space<vmem>>, vector<1x1x512xi32>
      %get3A_365 = vector.shape_cast %get3A_364 : vector<1x1x512xi32> to vector<1x512xi32>
      %reshape3A_366 = vector.shape_cast %get3A_365 : vector<1x512xi32> to vector<512x1xi32>
      %mul3A_367 = arith.constant 4 : i32
      %mul3A_368 = arith.muli %select_n3A, %mul3A_367 : i32
      %add3A_369 = arith.constant 2 : i32
      %add3A_370 = arith.addi %mul3A_368, %add3A_369 : i32
      %get3A_371 = arith.index_cast %add3A_370 : i32 to index
      %get3A_372 = arith.constant 0 : index
      %get3A_373 = arith.constant 0 : index
      %get3A_374 = vector.load %arg9[%get3A_371, %get3A_372, %get3A_373] : memref<8x1x512xf32, #tpu.memory_space<vmem>>, vector<1x1x512xf32>
      %get3A_375 = vector.shape_cast %get3A_374 : vector<1x1x512xf32> to vector<1x512xf32>
      %reshape3A_376 = vector.shape_cast %get3A_375 : vector<1x512xf32> to vector<512x1xf32>
      %mul3A_377 = arith.constant 4 : i32
      %mul3A_378 = arith.muli %select_n3A, %mul3A_377 : i32
      %add3A_379 = arith.constant 2 : i32
      %add3A_380 = arith.addi %mul3A_378, %add3A_379 : i32
      %get3A_381 = arith.index_cast %add3A_380 : i32 to index
      %get3A_382 = arith.constant 0 : index
      %get3A_383 = arith.constant 0 : index
      %get3A_384 = vector.load %arg10[%get3A_381, %get3A_382, %get3A_383] : memref<8x1x512xf32, #tpu.memory_space<vmem>>, vector<1x1x512xf32>
      %get3A_385 = vector.shape_cast %get3A_384 : vector<1x1x512xf32> to vector<1x512xf32>
      %reshape3A_386 = vector.shape_cast %get3A_385 : vector<1x512xf32> to vector<512x1xf32>
      %eq3A_387 = vector.broadcast %reshape3A_366 : vector<512x1xi32> to vector<512x64xi32>
      %eq3A_388 = arith.cmpi eq, %iota3A, %eq3A_387 : vector<512x64xi32>
      %jit3A_389 = arith.constant 0.000000e+00 : f32
      %broadcast_in_dim3A_390 = vector.shape_cast %min3A_214 : vector<1x64xf32> to vector<1x64xf32>
      %broadcast_in_dim3A_391 = vector.broadcast %broadcast_in_dim3A_390 : vector<1x64xf32> to vector<512x64xf32>
      %broadcast_in_dim3A_392 = vector.broadcast %jit3A_389 : f32 to vector<512x64xf32>
      %select_n3A_393 = arith.select %eq3A_388, %broadcast_in_dim3A_391, %broadcast_in_dim3A_392 : vector<512x64xi1>, vector<512x64xf32>
      %reduce_sum3A_394 = arith.constant dense<0.000000e+00> : vector<512xf32>
      %reduce_sum3A_395 = vector.multi_reduction <add>, %select_n3A_393, %reduce_sum3A_394 [1] : vector<512x64xf32> to vector<512xf32>
      %broadcast_in_dim3A_396 = vector.shape_cast %reduce_sum3A_395 : vector<512xf32> to vector<512x1xf32>
      %add3A_397 = arith.addf %reshape3A_376, %broadcast_in_dim3A_396 : vector<512x1xf32>
      %lt3A_398 = arith.constant 4.000000e+01 : f32
      %lt3A_399 = vector.broadcast %lt3A_398 : f32 to vector<512x1xf32>
      %lt3A_400 = arith.cmpf olt, %add3A_397, %lt3A_399 : vector<512x1xf32>
      %jit3A_401 = arith.constant 0.000000e+00 : f32
      %broadcast_in_dim3A_402 = vector.broadcast %jit3A_401 : f32 to vector<512x1xf32>
      %select_n3A_403 = arith.select %lt3A_400, %reshape3A_386, %broadcast_in_dim3A_402 : vector<512x1xi1>, vector<512x1xf32>
      %mul3A_404 = arith.constant 40 : i32
      %mul3A_405 = vector.broadcast %mul3A_404 : i32 to vector<512x1xi32>
      %mul3A_406 = arith.muli %reshape3A_366, %mul3A_405 : vector<512x1xi32>
      %convert_element_type3A_407 = arith.fptosi %add3A_397 : vector<512x1xf32> to vector<512x1xi32>
      %add3A_408 = arith.addi %mul3A_406, %convert_element_type3A_407 : vector<512x1xi32>
      %jit3A_409 = arith.constant -1 : i32
      %broadcast_in_dim3A_410 = vector.broadcast %jit3A_409 : i32 to vector<512x1xi32>
      %select_n3A_411 = arith.select %lt3A_400, %add3A_408, %broadcast_in_dim3A_410 : vector<512x1xi1>, vector<512x1xi32>
      %reshape3A_412 = vector.shape_cast %select_n3A_411 : vector<512x1xi32> to vector<1x512xi32>
      %swap3A_413 = arith.constant 0 : index
      %swap3A_414 = arith.constant 2 : index
      %swap3A_415 = arith.constant 0 : index
      %swap3A_416 = arith.constant 0 : index
      %swap3A_417 = vector.load %arg5[%swap3A_413, %swap3A_414, %swap3A_415, %swap3A_416] : memref<1x4x1x512xi32, #tpu.memory_space<vmem>>, vector<1x1x1x512xi32>
      %swap3A_418 = vector.shape_cast %swap3A_417 : vector<1x1x1x512xi32> to vector<1x512xi32>
      %swap3A_419 = vector.shape_cast %reshape3A_412 : vector<1x512xi32> to vector<1x1x1x512xi32>
      tpu.vector_store %arg5[%swap3A_413, %swap3A_414, %swap3A_415, %swap3A_416], %swap3A_419 {strides = array<i32>} : memref<1x4x1x512xi32, #tpu.memory_space<vmem>>, vector<1x1x1x512xi32>,
      %reshape3A_420 = vector.shape_cast %select_n3A_403 : vector<512x1xf32> to vector<1x512xf32>
      %swap3A_421 = arith.constant 0 : index
      %swap3A_422 = arith.constant 2 : index
      %swap3A_423 = arith.constant 0 : index
      %swap3A_424 = arith.constant 0 : index
      %swap3A_425 = vector.load %arg6[%swap3A_421, %swap3A_422, %swap3A_423, %swap3A_424] : memref<1x4x1x512xf32, #tpu.memory_space<vmem>>, vector<1x1x1x512xf32>
      %swap3A_426 = vector.shape_cast %swap3A_425 : vector<1x1x1x512xf32> to vector<1x512xf32>
      %swap3A_427 = vector.shape_cast %reshape3A_420 : vector<1x512xf32> to vector<1x1x1x512xf32>
      tpu.vector_store %arg6[%swap3A_421, %swap3A_422, %swap3A_423, %swap3A_424], %swap3A_427 {strides = array<i32>} : memref<1x4x1x512xf32, #tpu.memory_space<vmem>>, vector<1x1x1x512xf32>,
      %mul3A_428 = arith.constant 4 : i32
      %mul3A_429 = arith.muli %select_n3A, %mul3A_428 : i32
      %add3A_430 = arith.constant 3 : i32
      %add3A_431 = arith.addi %mul3A_429, %add3A_430 : i32
      %get3A_432 = arith.index_cast %add3A_431 : i32 to index
      %get3A_433 = arith.constant 0 : index
      %get3A_434 = arith.constant 0 : index
      %get3A_435 = vector.load %arg8[%get3A_432, %get3A_433, %get3A_434] : memref<8x1x512xi32, #tpu.memory_space<vmem>>, vector<1x1x512xi32>
      %get3A_436 = vector.shape_cast %get3A_435 : vector<1x1x512xi32> to vector<1x512xi32>
      %reshape3A_437 = vector.shape_cast %get3A_436 : vector<1x512xi32> to vector<512x1xi32>
      %mul3A_438 = arith.constant 4 : i32
      %mul3A_439 = arith.muli %select_n3A, %mul3A_438 : i32
      %add3A_440 = arith.constant 3 : i32
      %add3A_441 = arith.addi %mul3A_439, %add3A_440 : i32
      %get3A_442 = arith.index_cast %add3A_441 : i32 to index
      %get3A_443 = arith.constant 0 : index
      %get3A_444 = arith.constant 0 : index
      %get3A_445 = vector.load %arg9[%get3A_442, %get3A_443, %get3A_444] : memref<8x1x512xf32, #tpu.memory_space<vmem>>, vector<1x1x512xf32>
      %get3A_446 = vector.shape_cast %get3A_445 : vector<1x1x512xf32> to vector<1x512xf32>
      %reshape3A_447 = vector.shape_cast %get3A_446 : vector<1x512xf32> to vector<512x1xf32>
      %mul3A_448 = arith.constant 4 : i32
      %mul3A_449 = arith.muli %select_n3A, %mul3A_448 : i32
      %add3A_450 = arith.constant 3 : i32
      %add3A_451 = arith.addi %mul3A_449, %add3A_450 : i32
      %get3A_452 = arith.index_cast %add3A_451 : i32 to index
      %get3A_453 = arith.constant 0 : index
      %get3A_454 = arith.constant 0 : index
      %get3A_455 = vector.load %arg10[%get3A_452, %get3A_453, %get3A_454] : memref<8x1x512xf32, #tpu.memory_space<vmem>>, vector<1x1x512xf32>
      %get3A_456 = vector.shape_cast %get3A_455 : vector<1x1x512xf32> to vector<1x512xf32>
      %reshape3A_457 = vector.shape_cast %get3A_456 : vector<1x512xf32> to vector<512x1xf32>
      %eq3A_458 = vector.broadcast %reshape3A_437 : vector<512x1xi32> to vector<512x64xi32>
      %eq3A_459 = arith.cmpi eq, %iota3A, %eq3A_458 : vector<512x64xi32>
      %jit3A_460 = arith.constant 0.000000e+00 : f32
      %broadcast_in_dim3A_461 = vector.shape_cast %min3A_214 : vector<1x64xf32> to vector<1x64xf32>
      %broadcast_in_dim3A_462 = vector.broadcast %broadcast_in_dim3A_461 : vector<1x64xf32> to vector<512x64xf32>
      %broadcast_in_dim3A_463 = vector.broadcast %jit3A_460 : f32 to vector<512x64xf32>
      %select_n3A_464 = arith.select %eq3A_459, %broadcast_in_dim3A_462, %broadcast_in_dim3A_463 : vector<512x64xi1>, vector<512x64xf32>
      %reduce_sum3A_465 = arith.constant dense<0.000000e+00> : vector<512xf32>
      %reduce_sum3A_466 = vector.multi_reduction <add>, %select_n3A_464, %reduce_sum3A_465 [1] : vector<512x64xf32> to vector<512xf32>
      %broadcast_in_dim3A_467 = vector.shape_cast %reduce_sum3A_466 : vector<512xf32> to vector<512x1xf32>
      %add3A_468 = arith.addf %reshape3A_447, %broadcast_in_dim3A_467 : vector<512x1xf32>
      %lt3A_469 = arith.constant 4.000000e+01 : f32
      %lt3A_470 = vector.broadcast %lt3A_469 : f32 to vector<512x1xf32>
      %lt3A_471 = arith.cmpf olt, %add3A_468, %lt3A_470 : vector<512x1xf32>
      %jit3A_472 = arith.constant 0.000000e+00 : f32
      %broadcast_in_dim3A_473 = vector.broadcast %jit3A_472 : f32 to vector<512x1xf32>
      %select_n3A_474 = arith.select %lt3A_471, %reshape3A_457, %broadcast_in_dim3A_473 : vector<512x1xi1>, vector<512x1xf32>
      %mul3A_475 = arith.constant 40 : i32
      %mul3A_476 = vector.broadcast %mul3A_475 : i32 to vector<512x1xi32>
      %mul3A_477 = arith.muli %reshape3A_437, %mul3A_476 : vector<512x1xi32>
      %convert_element_type3A_478 = arith.fptosi %add3A_468 : vector<512x1xf32> to vector<512x1xi32>
      %add3A_479 = arith.addi %mul3A_477, %convert_element_type3A_478 : vector<512x1xi32>
      %jit3A_480 = arith.constant -1 : i32
      %broadcast_in_dim3A_481 = vector.broadcast %jit3A_480 : i32 to vector<512x1xi32>
      %select_n3A_482 = arith.select %lt3A_471, %add3A_479, %broadcast_in_dim3A_481 : vector<512x1xi1>, vector<512x1xi32>
      %reshape3A_483 = vector.shape_cast %select_n3A_482 : vector<512x1xi32> to vector<1x512xi32>
      %swap3A_484 = arith.constant 0 : index
      %swap3A_485 = arith.constant 3 : index
      %swap3A_486 = arith.constant 0 : index
      %swap3A_487 = arith.constant 0 : index
      %swap3A_488 = vector.load %arg5[%swap3A_484, %swap3A_485, %swap3A_486, %swap3A_487] : memref<1x4x1x512xi32, #tpu.memory_space<vmem>>, vector<1x1x1x512xi32>
      %swap3A_489 = vector.shape_cast %swap3A_488 : vector<1x1x1x512xi32> to vector<1x512xi32>
      %swap3A_490 = vector.shape_cast %reshape3A_483 : vector<1x512xi32> to vector<1x1x1x512xi32>
      tpu.vector_store %arg5[%swap3A_484, %swap3A_485, %swap3A_486, %swap3A_487], %swap3A_490 {strides = array<i32>} : memref<1x4x1x512xi32, #tpu.memory_space<vmem>>, vector<1x1x1x512xi32>,
      %reshape3A_491 = vector.shape_cast %select_n3A_474 : vector<512x1xf32> to vector<1x512xf32>
      %swap3A_492 = arith.constant 0 : index
      %swap3A_493 = arith.constant 3 : index
      %swap3A_494 = arith.constant 0 : index
      %swap3A_495 = arith.constant 0 : index
      %swap3A_496 = vector.load %arg6[%swap3A_492, %swap3A_493, %swap3A_494, %swap3A_495] : memref<1x4x1x512xf32, #tpu.memory_space<vmem>>, vector<1x1x1x512xf32>
      %swap3A_497 = vector.shape_cast %swap3A_496 : vector<1x1x1x512xf32> to vector<1x512xf32>
      %swap3A_498 = vector.shape_cast %reshape3A_491 : vector<1x512xf32> to vector<1x1x1x512xf32>
      tpu.vector_store %arg6[%swap3A_492, %swap3A_493, %swap3A_494, %swap3A_495], %swap3A_498 {strides = array<i32>} : memref<1x4x1x512xf32, #tpu.memory_space<vmem>>, vector<1x1x1x512xf32>,
    } else {
    }
    %eq3A_203 = arith.constant 7 : i32
    %eq3A_204 = arith.cmpi eq, %arg0, %eq3A_203 : i32
    %convert_element_type3A_205 = arith.extui %eq3A_204 : i1 to i32
    %cond3A_206 = arith.constant 0 : i32
    %cond3A_207 = arith.cmpi ne, %convert_element_type3A_205, %cond3A_206 : i32
    scf.if %cond3A_207 {
      %get3A_208 = arith.constant 0 : index
      %get3A_209 = arith.constant 0 : index
      %get3A_210 = arith.constant 0 : index
      %get3A_211 = vector.load %arg11[%get3A_208, %get3A_209, %get3A_210] : memref<2x1x64xf32, #tpu.memory_space<vmem>>, vector<2x1x64xf32>
      %get3A_212 = arith.constant 0 : index
      %get3A_213 = arith.constant 0 : index
      %get3A_214 = arith.constant 0 : index
      %get3A_215 = vector.load %arg12[%get3A_212, %get3A_213, %get3A_214] : memref<2x1x64xf32, #tpu.memory_space<vmem>>, vector<2x1x64xf32>
      %mul3A_216 = arith.mulf %get3A_211, %get3A_215 : vector<2x1x64xf32>
      %reduce_sum3A_217 = vector.shape_cast %mul3A_216 : vector<2x1x64xf32> to vector<1x2x1x64xf32>
      %reduce_sum3A_218 = arith.constant dense<0.000000e+00> : vector<1xf32>
      %reduce_sum3A_219 = vector.multi_reduction <add>, %reduce_sum3A_217, %reduce_sum3A_218 [1, 2, 3] : vector<1x2x1x64xf32> to vector<1xf32>
      %reduce_sum3A_220 = vector.shape_cast %reduce_sum3A_219 : vector<1xf32> to vector<1x1x1x1xf32>
      %reduce_sum3A_221 = vector.extract %reduce_sum3A_220[0, 0, 0, 0] : f32 from vector<1x1x1x1xf32>
      %mul3A_222 = arith.constant 7.62939453E-6 : f32
      %mul3A_223 = arith.mulf %reduce_sum3A_221, %mul3A_222 : f32
      %reshape3A_224 = vector.broadcast %mul3A_223 : f32 to vector<1x1xf32>
      %swap3A_225 = arith.constant 0 : index
      %swap3A_226 = arith.constant 0 : index
      %swap3A_227 = vector.load %arg7[%swap3A_225, %swap3A_226] : memref<1x1xf32, #tpu.memory_space<vmem>>, vector<1x1xf32>
      tpu.vector_store %arg7[%swap3A_225, %swap3A_226], %reshape3A_224 {strides = array<i32>} : memref<1x1xf32, #tpu.memory_space<vmem>>, vector<1x1xf32>,
    } else {
    }
    return
  }
  func.func @transform_0(%arg0: i32) -> (i32, i32, i32) {
    %jit3A = arith.constant 4 : i32
    %div3A = arith.divsi %arg0, %jit3A : i32
    %sign3A = arith.constant 0 : i32
    %sign3A_0 = arith.cmpi sgt, %arg0, %sign3A : i32
    %sign3A_1 = arith.extui %sign3A_0 : i1 to i32
    %sign3A_2 = arith.constant 0 : i32
    %sign3A_3 = arith.cmpi slt, %arg0, %sign3A_2 : i32
    %sign3A_4 = arith.extui %sign3A_3 : i1 to i32
    %sign3A_5 = arith.subi %sign3A_1, %sign3A_4 : i32
    %sign3A_6 = arith.constant 0 : i32
    %sign3A_7 = arith.cmpi sgt, %jit3A, %sign3A_6 : i32
    %sign3A_8 = arith.extui %sign3A_7 : i1 to i32
    %sign3A_9 = arith.constant 0 : i32
    %sign3A_10 = arith.cmpi slt, %jit3A, %sign3A_9 : i32
    %sign3A_11 = arith.extui %sign3A_10 : i1 to i32
    %sign3A_12 = arith.subi %sign3A_8, %sign3A_11 : i32
    %ne3A = arith.cmpi ne, %sign3A_5, %sign3A_12 : i32
    %rem3A = arith.remsi %arg0, %jit3A : i32
    %ne3A_13 = arith.constant 0 : i32
    %ne3A_14 = arith.cmpi ne, %rem3A, %ne3A_13 : i32
    %and3A = arith.andi %ne3A, %ne3A_14 : i1
    %sub3A = arith.constant 1 : i32
    %sub3A_15 = arith.subi %div3A, %sub3A : i32
    %select_n3A = arith.select %and3A, %sub3A_15, %div3A : i32
    %jit3A_16 = arith.constant 4 : i32
    %eq3A = arith.constant 0 : i32
    %eq3A_17 = arith.cmpi eq, %jit3A_16, %eq3A : i32
    %jit3A_18 = arith.constant 1 : i32
    %select_n3A_19 = arith.select %eq3A_17, %jit3A_18, %jit3A_16 : i32
    %rem3A_20 = arith.remsi %arg0, %select_n3A_19 : i32
    %ne3A_21 = arith.constant 0 : i32
    %ne3A_22 = arith.cmpi ne, %rem3A_20, %ne3A_21 : i32
    %lt3A = arith.constant 0 : i32
    %lt3A_23 = arith.cmpi slt, %rem3A_20, %lt3A : i32
    %lt3A_24 = arith.constant 0 : i32
    %lt3A_25 = arith.cmpi slt, %select_n3A_19, %lt3A_24 : i32
    %ne3A_26 = arith.xori %lt3A_23, %lt3A_25 : i1
    %and3A_27 = arith.andi %ne3A_26, %ne3A_22 : i1
    %add3A = arith.addi %rem3A_20, %select_n3A_19 : i32
    %select_n3A_28 = arith.select %and3A_27, %add3A, %rem3A_20 : i32
    %c0_i32 = arith.constant 0 : i32
    %c0_i32_29 = arith.constant 0 : i32
    return %select_n3A, %select_n3A_28, %c0_i32 : i32, i32, i32
  }
  func.func @transform_1(%arg0: i32) -> (i32, i32) {
    %c0_i32 = arith.constant 0 : i32
    %c0_i32_0 = arith.constant 0 : i32
    %c0_i32_1 = arith.constant 0 : i32
    return %c0_i32, %c0_i32_0 : i32, i32
  }
  func.func @transform_2(%arg0: i32) -> (i32, i32, i32) {
    %c0_i32 = arith.constant 0 : i32
    %c0_i32_0 = arith.constant 0 : i32
    %c0_i32_1 = arith.constant 0 : i32
    return %arg0, %c0_i32, %c0_i32_0 : i32, i32, i32
  }
  func.func @transform_3(%arg0: i32) -> (i32, i32, i32) {
    %c0_i32 = arith.constant 0 : i32
    %c0_i32_0 = arith.constant 0 : i32
    %c0_i32_1 = arith.constant 0 : i32
    return %arg0, %c0_i32, %c0_i32_0 : i32, i32, i32
  }
  func.func @transform_4(%arg0: i32) -> (i32, i32, i32, i32) {
    %jit3A = arith.constant 4 : i32
    %div3A = arith.divsi %arg0, %jit3A : i32
    %sign3A = arith.constant 0 : i32
    %sign3A_0 = arith.cmpi sgt, %arg0, %sign3A : i32
    %sign3A_1 = arith.extui %sign3A_0 : i1 to i32
    %sign3A_2 = arith.constant 0 : i32
    %sign3A_3 = arith.cmpi slt, %arg0, %sign3A_2 : i32
    %sign3A_4 = arith.extui %sign3A_3 : i1 to i32
    %sign3A_5 = arith.subi %sign3A_1, %sign3A_4 : i32
    %sign3A_6 = arith.constant 0 : i32
    %sign3A_7 = arith.cmpi sgt, %jit3A, %sign3A_6 : i32
    %sign3A_8 = arith.extui %sign3A_7 : i1 to i32
    %sign3A_9 = arith.constant 0 : i32
    %sign3A_10 = arith.cmpi slt, %jit3A, %sign3A_9 : i32
    %sign3A_11 = arith.extui %sign3A_10 : i1 to i32
    %sign3A_12 = arith.subi %sign3A_8, %sign3A_11 : i32
    %ne3A = arith.cmpi ne, %sign3A_5, %sign3A_12 : i32
    %rem3A = arith.remsi %arg0, %jit3A : i32
    %ne3A_13 = arith.constant 0 : i32
    %ne3A_14 = arith.cmpi ne, %rem3A, %ne3A_13 : i32
    %and3A = arith.andi %ne3A, %ne3A_14 : i1
    %sub3A = arith.constant 1 : i32
    %sub3A_15 = arith.subi %div3A, %sub3A : i32
    %select_n3A = arith.select %and3A, %sub3A_15, %div3A : i32
    %c0_i32 = arith.constant 0 : i32
    %c0_i32_16 = arith.constant 0 : i32
    %c0_i32_17 = arith.constant 0 : i32
    %c0_i32_18 = arith.constant 0 : i32
    return %select_n3A, %c0_i32, %c0_i32_16, %c0_i32_17 : i32, i32, i32, i32
  }
  func.func @transform_5(%arg0: i32) -> (i32, i32, i32, i32) {
    %jit3A = arith.constant 4 : i32
    %div3A = arith.divsi %arg0, %jit3A : i32
    %sign3A = arith.constant 0 : i32
    %sign3A_0 = arith.cmpi sgt, %arg0, %sign3A : i32
    %sign3A_1 = arith.extui %sign3A_0 : i1 to i32
    %sign3A_2 = arith.constant 0 : i32
    %sign3A_3 = arith.cmpi slt, %arg0, %sign3A_2 : i32
    %sign3A_4 = arith.extui %sign3A_3 : i1 to i32
    %sign3A_5 = arith.subi %sign3A_1, %sign3A_4 : i32
    %sign3A_6 = arith.constant 0 : i32
    %sign3A_7 = arith.cmpi sgt, %jit3A, %sign3A_6 : i32
    %sign3A_8 = arith.extui %sign3A_7 : i1 to i32
    %sign3A_9 = arith.constant 0 : i32
    %sign3A_10 = arith.cmpi slt, %jit3A, %sign3A_9 : i32
    %sign3A_11 = arith.extui %sign3A_10 : i1 to i32
    %sign3A_12 = arith.subi %sign3A_8, %sign3A_11 : i32
    %ne3A = arith.cmpi ne, %sign3A_5, %sign3A_12 : i32
    %rem3A = arith.remsi %arg0, %jit3A : i32
    %ne3A_13 = arith.constant 0 : i32
    %ne3A_14 = arith.cmpi ne, %rem3A, %ne3A_13 : i32
    %and3A = arith.andi %ne3A, %ne3A_14 : i1
    %sub3A = arith.constant 1 : i32
    %sub3A_15 = arith.subi %div3A, %sub3A : i32
    %select_n3A = arith.select %and3A, %sub3A_15, %div3A : i32
    %c0_i32 = arith.constant 0 : i32
    %c0_i32_16 = arith.constant 0 : i32
    %c0_i32_17 = arith.constant 0 : i32
    %c0_i32_18 = arith.constant 0 : i32
    return %select_n3A, %c0_i32, %c0_i32_16, %c0_i32_17 : i32, i32, i32, i32
  }
  func.func @transform_6(%arg0: i32) -> (i32, i32) {
    %c0_i32 = arith.constant 0 : i32
    %c0_i32_0 = arith.constant 0 : i32
    %c0_i32_1 = arith.constant 0 : i32
    return %c0_i32, %c0_i32_0 : i32, i32
  }
}

</mosaic_0001>

<sc_bundles>
// kernel: kernel.4.cloned.1.call-start
scs
__scs_entry_jumppad:
0x0: {  	(pc) =	sbr.rel $0x88, $3  }
0x1: {  	(tag) =	ssettag $0x0;
	lr =	simm.s32 $0x1  }
0x2: {  	[smem:$0x3F9F] =	sst lr;
	_ =	strace $0xD0000000  }
0x3: {  	_ = 	snop  }
0x4: {  	_ = 	snop  }
0x5: {  	_ = 	snop  }
0x6: {  	_ = 	snop  }
0x7: {  	_ = 	snop  }
__scs_overlays_trampoline_lowered:
0x8: {  	[smem:$0x3FAE] =	sst s0  }
0x9: {  	[smem:$0x3FAF] =	sst s1  }
0xa: {  	[smem:$0x3FB0] =	sst s2  }
0xb: {  	[smem:$0x3FB1] =	sst s3  }
0xc: {  	[smem:$0x3FB2] =	sst s4  }
0xd: {  	[smem:$0x3FB3] =	sst s5  }
0xe: {  	[smem:$0x3FB4] =	sst s6  }
0xf: {  	[smem:$0x3FB5] =	sst s7  }
0x10: {  	[smem:$0x3FB6] =	sst s8  }
0x11: {  	[smem:$0x3FB7] =	sst s9;
	s0 =	simm.s32 @!p0 $0x0  }
0x12: {  	s1 =	sld [smem:$0x3F9D];
	s0 =	simm.s32 @p0 $0x1  }
0x13: {  	[smem:$0x3FB8] =	sst s0;
	s0 =	simm.s32 @!p1 $0x0  }
0x14: {  	s2 =	sld [smem:$0x3F9C];
	s0 =	simm.s32 @p1 $0x1  }
0x15: {  	[smem:$0x3FB9] =	sst s0;
	s0 =	simm.s32 @!p2 $0x0  }
0x16: {  	s3 =	sld [smem:$0x3FDB];
	s0 =	simm.s32 @p2 $0x1  }
0x17: {  	s4 =	simm.s32 $0x1BF5;
	[smem:$0x3FBB] =	sst s0  }
0x18: {  	s0 =	sld [smem:$0x3F9E];
	_ =	swait.ge [sflag:s4], $0x0  }
0x19: {  	s7 =	sld [smem:$0x3F9F]  }
0x1a: {  	s8 =	sadd.s32 $0xFFFFE003, lr  }
0x1b: {  	s9 =	sadd.s32 $0xFFFFFEF7, lr;
	s5 =	simm.s32 $0xFFFFFFFF;
	p2 =	slt.u32 s8, $0xFFFFF086  }
0x1c: {  	p1 =	slt.u32 s9, $0xF7A;
	s5 =	simm.s32 @!p2 $0x0  }
0x1d: {  	s5 =	simm.s32 @p1 $0x1;
	p0 =	seq.s32 s7, s2  }
0x1e: {  	s7 =	smul.u32 @!p0 $0xF7A, s2;
	p2 =	seq.s32 @!p0 s5, $0x0  }
0x1f: {  	s9 =	smul.u32 $0xF7A, s1;
	s8 =	simm.s32 @!p0 $0x1BF5;
	p2 =	por !p2, p0  }
0x20: {  	[sflag:s8] =	ssyncset.s32 @!p0 $0xFFFFF086;
	s6 =	sadd.s32 @!p0 s3, s7;
	s7 =	simm.s32 @!p0 $0x108  }
0x21: {  	s3 =	sadd.s32 s3, s9;
	s6 =	sadd.s32 @!p0 $0x88, s6;
	s7 =	simm.s32 @p2 $0x1082  }
0x22: {  	[simem:s7], [sflag:s8] =	dma.local @!p0 [hbm:s6], $0xF7A  }
0x23: {  	s9 =	sor.u32 $0xD0000000, s2;
	s6 =	simm.s32 $0x108;
	_ =	swait.ge @!p0 [sflag:s8], $0x0  }
0x24: {  	s3 =	sadd.s32 $0x88, s3;
	s6 =	simm.s32 @!p1 $0x1082;
	[sflag:s4] =	ssyncset.s32 $0xFFFFF086  }
0x25: {  	[simem:s6], [sflag:s4] =	dma.local [hbm:s3], $0xF7A  }
0x26: {  	[smem:$0x3F9F] =	sst s1;
	(tag) =	ssettag s2;
	_ =	strace s9  }
0x27: {  	s1 =	sld [smem:$0x3FAF]  }
0x28: {  	s2 =	sld [smem:$0x3FB0]  }
0x29: {  	s4 =	sld [smem:$0x3FB2]  }
0x2a: {  	p0 =	seq.s32 s5, $0x0;
	s5 =	sld [smem:$0x3FB3]  }
0x2b: {  	s6 =	sld [smem:$0x3FB4]  }
0x2c: {  	s7 =	sld [smem:$0x3FB5]  }
0x2d: {  	s3 =	simm.s32 $0x108;
	s8 =	sld [smem:$0x3FB6]  }
0x2e: {  	s3 =	simm.s32 @!p0 $0x1082;
	s9 =	sld [smem:$0x3FB7]  }
0x2f: {  	lr =	sadd.s32 s0, s3;
	s0 =	sld [smem:$0x3FAE]  }
0x30: {  	s3 =	sld [smem:$0x3FB1]  }
0x31: {  	[smem:$0x3FBA] =	sst s10  }
0x32: {  	s10 =	sld [smem:$0x3FB8];
	_ =	sdelay $0x3  }
0x33: {  	p0 =	seq.s32 s10, $0x1;
	s10 =	sld [smem:$0x3FBA];
	_ =	sdelay $0x3  }
0x34: {  	[smem:$0x3FBA] =	sst s10  }
0x35: {  	s10 =	sld [smem:$0x3FB9];
	_ =	sdelay $0x3  }
0x36: {  	p1 =	seq.s32 s10, $0x1;
	s10 =	sld [smem:$0x3FBA];
	_ =	sdelay $0x3  }
0x37: {  	[smem:$0x3FBA] =	sst s10  }
0x38: {  	s10 =	sld [smem:$0x3FBB]  }
0x39: {  	_ = 	snop;
	(pc) =	sbr.ind lr, $3  }
0x3a: {  	_ = 	snop  }
0x3b: {  	_ = 	snop  }
0x3c: {  	p2 =	seq.s32 s10, $0x1;
	s10 =	sld [smem:$0x3FBA]  }
0x3d: {  	_ =	shalt  }
0x3e: {  	_ =	shalt  }
0x3f: {  	_ =	shalt  }
0x40: {  	_ =	shalt  }
0x41: {  	_ =	shalt  }
0x42: {  	_ =	shalt  }
0x43: {  	_ =	shalt  }
0x44: {  	_ =	shalt  }
0x45: {  	_ =	shalt  }
0x46: {  	_ =	shalt  }
0x47: {  	_ =	shalt  }
0x48: {  	_ =	shalt  }
0x49: {  	_ =	shalt  }
0x4a: {  	_ =	shalt  }
0x4b: {  	_ =	shalt  }
0x4c: {  	_ =	shalt  }
0x4d: {  	_ =	shalt  }
0x4e: {  	_ =	shalt  }
0x4f: {  	_ =	shalt  }
0x50: {  	_ =	shalt  }
0x51: {  	_ =	shalt  }
0x52: {  	_ =	shalt  }
0x53: {  	_ =	shalt  }
0x54: {  	_ =	shalt  }
0x55: {  	_ =	shalt  }
0x56: {  	_ =	shalt  }
0x57: {  	_ =	shalt  }
0x58: {  	_ =	shalt  }
0x59: {  	_ =	shalt  }
0x5a: {  	_ =	shalt  }
0x5b: {  	_ =	shalt  }
0x5c: {  	_ =	shalt  }
0x5d: {  	_ =	shalt  }
0x5e: {  	_ =	shalt  }
0x5f: {  	_ =	shalt  }
0x60: {  	_ =	shalt  }
0x61: {  	_ =	shalt  }
0x62: {  	_ =	shalt  }
0x63: {  	_ =	shalt  }
0x64: {  	_ =	shalt  }
0x65: {  	_ =	shalt  }
0x66: {  	_ =	shalt  }
0x67: {  	_ =	shalt  }
0x68: {  	_ =	shalt  }
0x69: {  	_ =	shalt  }
0x6a: {  	_ =	shalt  }
0x6b: {  	_ =	shalt  }
0x6c: {  	_ =	shalt  }
0x6d: {  	_ =	shalt  }
0x6e: {  	_ =	shalt  }
0x6f: {  	_ =	shalt  }
0x70: {  	_ =	shalt  }
0x71: {  	_ =	shalt  }
0x72: {  	_ =	shalt  }
0x73: {  	_ =	shalt  }
0x74: {  	_ =	shalt  }
0x75: {  	_ =	shalt  }
0x76: {  	_ =	shalt  }
0x77: {  	_ =	shalt  }
0x78: {  	_ =	shalt  }
0x79: {  	_ =	shalt  }
0x7a: {  	_ =	shalt  }
0x7b: {  	_ =	shalt  }
0x7c: {  	_ =	shalt  }
0x7d: {  	_ =	shalt  }
0x7e: {  	_ =	shalt  }
0x7f: {  	_ =	shalt  }
0x80: {  	_ =	shalt  }
0x81: {  	_ =	shalt  }
0x82: {  	_ =	shalt  }
0x83: {  	_ =	shalt  }
0x84: {  	_ =	shalt  }
0x85: {  	_ =	shalt  }
0x86: {  	_ =	shalt  }
0x87: {  	_ =	shalt  }
.Lfunc_end0:
.L_simem_size_0:
called_computation.2_lowered:
.L_overlay_start_0:
0x88: {  	s2 =	sld [smem:$0x3FD9]  }
0x89: {  	s3 =	sld [smem:$0x3FFE];
	_ =	sdelay $0x1  }
0x8a: {  	s1 =	srdreg.scid  }
0x8b: {  	s0 =	sand.u32 $0x1, s1  }
0x8c: {  	s14 =	sshll.u32 s0, $0xA;
	s2 =	sadd.s32 s3, s2  }
0x8d: {  	s2 =	sadd.s32 s2, s14  }
0x8e: {  	[smem:$0x3FC6] =	sst s2  }
0x8f: {  	_ = 	snop  }
0x90: {  	s2 =	sld [smem:$0x3FD0];
	_ =	sdelay $0x2  }
0x91: {  	s15 =	simm.s32 $0xB;
	s4 =	simm.s32 $0x10  }
0x92: {  	[smem:s4], [sflag:s15] =	dma.local [hbm:s2], $0x1  }
0x93: {  	_ =	swait.eq [sflag:s15], $0x1  }
0x94: {  	[sflag:s15] =	ssyncset.done $0x0  }
0x95: {  	s16 =	sld [smem:$0x10];
	[sflag:s15] =	ssyncadd.s32 $0xFFFFFFFF  }
0x96: {  	s17 =	sld [smem:$0x11];
	(tm) =	ssettm $0x1  }
0x97: {  	s18 =	sld [smem:$0x3FFB];
	_ =	sdelay $0x3  }
0x98: {  	_ =	strace s18  }
0x99: {  	s4 =	sld [smem:$0x3FFC];
	_ =	sdelay $0x3  }
0x9a: {  	_ =	strace s4  }
0x9b: {  	s4 =	sld [smem:$0x3FFD];
	_ =	sdelay $0x3  }
0x9c: {  	_ =	strace s4  }
0x9d: {  	_ =	strace $0x8FFFFFFF  }
0x9e: {  	s19 =	sld [smem:$0x3FDB];
	_ =	sdelay $0x1  }
0x9f: {  	s5 =	simm.s32 $_scs_section_size  }
0xa0: {  	s6 =	simm.s32 $_size__tile_overlayer_lowered;
	s7 =	simm.s32 $_tile_overlayer_lowered  }
0xa1: {  	s22 =	simm.s32 $0x1BFF;
	s21 =	sshll.u32 s7, $0x1;
	s4 =	sadd.s32 s5, s19  }
0xa2: {  	s8 =	simm.s32 $0x0;
	s20 =	sshll.u32 s6, $0x1;
	s6 =	sadd.s32 s21, s4  }
0xa3: {  	[timem:s8], [sflag:s22] =	dma.local [hbm:s6], s20  }
0xa4: {  	_ =	swait.ge [sflag:s22], s20  }
0xa5: {  	s5 =	ssub.s32 $0x0, s20;
	[sflag:s22] =	ssyncset.done $0x0  }
0xa6: {  	[sflag:s22] =	ssyncadd.s32 s5;
	_ =	sdelay $0x1  }
0xa7: {  	s23 =	simm.s32 $0x1B8B  }
0xa8: {  	_ =	swait.ge [sflag:s23], $0x1  }
0xa9: {  	[sflag:s23] =	ssyncset.done $0x0  }
0xaa: {  	s25 =	simm.s32 $0x1B8E;
	s24 =	sld [smem:$0x3FFE];
	[sflag:s23] =	ssyncadd.s32 $0xFFFFFFFF  }
0xab: {  	s26 =	simm.s32 $execute0_lowered;
	[smem:$0x3FD2] =	sst s25  }
0xac: {  	s6 =	sshll.u32 s26, $0x1;
	_ =	strace $0x80000046;
	[dreg:$0x1] =	wrdreg $0xFFFFFFFF  }
0xad: {  	s28 =	simm.s32 $_size_execute0_lowered;
	s4 =	sadd.s32 s4, s6;
	[dreg:$0x0] =	wrdreg $0x0  }
0xae: {  	s6 =	sshll.u32 s28, $0x1;
	[dreg:$0x2] =	wrdreg s4  }
0xaf: {  	[dreg:$0x3] =	wrdreg s6  }
0xb0: {  	[dreg:$0x4] =	wrdreg $0xC0  }
0xb1: {  	_ =	task [dreg:s8], $0x5FFFF  }
0xb2: {  	[dreg:$0x1] =	wrdreg $0xFFFFFFFF  }
0xb3: {  	[dreg:$0x0] =	wrdreg $0x60  }
0xb4: {  	[dreg:$0x2] =	wrdreg s24  }
0xb5: {  	[dreg:$0x3] =	wrdreg s16  }
0xb6: {  	[dreg:$0x4] =	wrdreg s17  }
0xb7: {  	[dreg:$0x5] =	wrdreg $0x9  }
0xb8: {  	_ =	task.clear_ibuf [dreg:s8], $0x6FFFF;
	_ =	strace $0x90000046  }
0xb9: {  	s29 =	simm.s32 $0x9;
	_ =	strace $0x80000048  }
0xba: {  	_ =	swait.ge [sflag:s29], $0x1  }
0xbb: {  	[sflag:s29] =	ssyncadd.s32 $0xFFFFFFFF  }
0xbc: {  	_ =	strace $0x90000048  }
0xbd: {  	_ =	sfence  }
0xbe: {  	s30 =	sld [smem:$0x0];
	_ =	sdelay $0x2  }
0xbf: {  	s31 =	sshll.u32 s1, $0xD;
	s1 =	sshrl.u32 s1, $0x2  }
0xc0: {  	s3 =	sand.u32 $0x4000, s31;
	s1 =	sadd.s32 s1, s30  }
0xc1: {  	s0 =	sor.u32 s3, s0;
	s1 =	sshll.u32 s1, $0x11  }
0xc2: {  	s0 =	sor.u32 s1, s0  }
0xc3: {  	s0 =	sadd.s32 $0x8F2B, s0  }
0xc4: {  	[sflag:s0] =	ssyncadd.remote.s32 $0x1  }
0xc5: {  	_ =	sfence.sel $0xFFFF  }
0xc6: {  	[dreg:$0x0] =	wrdreg $0xFFFFFFFF;
	(pc) =	sbr.abs _section_cstart, $3  }
0xc7: {  	[dreg:$0x1] =	wrdreg $0xFFFFFFFF  }
0xc8: {  	_ =	task.clear_ibuf [dreg:s8], $0x2FFFF;
	_ =	strace $0x9FFFFFFF  }
0xc9: {  	(tm) =	ssettm $0x7FFFFFFF  }
tec
execute0_lowered:
.L_overlay_start_1:
0x0: {  	(tag) =	ssettag $0x1  }
0x1: {  	s0 =	rddreg [dreg:$0x0]  }
0x2: {  	s1 =	rddreg [dreg:$0x1];
	s2 =	srdreg.scid  }
0x3: {  	s4 =	stileid.u32;
	s22 =	rddreg [dreg:$0x2]  }
0x4: {  	s28 =	simm.s32 $0x180;
	s29 =	simm.s32 $0xA200;
	s30 =	simm.s32 $0x200  }
0x5: {  	s3 =	sand.u32 $0x1, s2;
	s4 =	sshll.u32 s4, $0x1;
	s2 =	simm.s32 $0x0  }
0x6: {  	s31 =	simm.s32 $0x0;
	s6 =	sor.u32 s3, s4;
	[smem:$0x7FF] =	sst s2  }
0x7: {  	s3 =	ssub.s32 $0x2, s3;
	s4 =	sshll.u32 s6, $0x4;
	_ =	strace $0x80000047  }
0x8: {  	s20 =	sshrl.u32 s3, $0x1;
	s8 =	smul.u32 $0xA000, s6;
	s0 =	sadd.s32 s4, s0  }
0x9: {  	s10 =	smul.u32 $0x50000, s6;
	s23 =	ssub.s32 s3, s20;
	s3 =	sadd.s32 $0x1A00, s0  }
0xa: {  	s4 =	sadd.s32 $0x1C00, s0;
	s5 =	sadd.s32 $0x1E00, s0;
	s6 =	sadd.s32 $0x2000, s0  }
0xb: {  	s7 =	sadd.s32 s1, s8;
	s21 =	sor.u32 $0x1400, s8;
	s8 =	sadd.s32 s22, s8  }
0xc: {  	s19 =	sshrl.u32 s10, $0x3;
	s23 =	smax.u32 s23, $0x1;
	s9 =	sadd.s32 s1, s21  }
0xd: {  	s10 =	sadd.s32 s22, s21;
	s24 =	sadd.s32 $0x2800, s19;
	s14 =	sadd.s32 $0x3C00, s19  }
0xe: {  	s25 =	sadd.s32 $0x5000, s19;
	s18 =	sadd.s32 $0x6400, s19;
	s26 =	sadd.s32 $0x7800, s19  }
0xf: {  	s11 =	sadd.s32 s1, s24;
	s12 =	sadd.s32 s22, s24;
	s13 =	sadd.s32 s1, s14  }
0x10: {  	s14 =	sadd.s32 s22, s14;
	s15 =	sadd.s32 s1, s25;
	s16 =	sadd.s32 s22, s25  }
0x11: {  	s17 =	sadd.s32 s1, s18;
	s18 =	sadd.s32 s22, s18;
	s24 =	sadd.s32 $0x8C00, s19  }
0x12: {  	v1 =	vlaneseq.u32;
	s19 =	sadd.s32 s1, s26;
	s20 =	sadd.s32 s22, s26;
	s26 =	simm.s32 $0x100  }
0x13: {  	v0 =	vimm.f32 $0.0e+00;
	v2 =	vimm.f32 $1.000000000e+00;
	v1 =	vmul.u32 $0xA00, v1;
	s21 =	sadd.s32 s1, s24;
	s22 =	sadd.s32 s22, s24;
	s24 =	simm.s32 $0x1  }
.LBB2_1:
0x14: {  	[tilespmem:s2], [sflag:$0x1] =	stream.linear.gather [hbm4b:s3+s2], $0x80, $0x38;
	[tilespmem:$0x14200] =	vst v63  }
0x15: {  	_ =	swait.ge [sflag:s24], $0x80  }
0x16: {  	[sflag:s24] =	ssyncset.done $0x0  }
0x17: {  	s0 =	simm.s32 $0x80;
	[sflag:s24] =	ssyncadd.s32 $0xFFFFFF80  }
0x18: {  	[tilespmem:s0], [sflag:$0x1] =	stream.linear.gather [hbm4b:s4+s2], $0x80, $0x38;
	[tilespmem:$0x14200] =	vst v63  }
0x19: {  	_ =	swait.ge [sflag:s24], $0x80  }
0x1a: {  	[sflag:s24] =	ssyncset.done $0x0  }
0x1b: {  	[sflag:s24] =	ssyncadd.s32 $0xFFFFFF80  }
0x1c: {  	[tilespmem:s26], [sflag:$0x1] =	stream.linear.gather [hbm4b:s5+s2], $0x80, $0x38;
	[tilespmem:$0x14200] =	vst v63  }
0x1d: {  	_ =	swait.ge [sflag:s24], $0x80  }
0x1e: {  	[sflag:s24] =	ssyncset.done $0x0  }
0x1f: {  	[sflag:s24] =	ssyncadd.s32 $0xFFFFFF80  }
0x20: {  	[tilespmem:s28], [sflag:$0x1] =	stream.linear.gather [hbm4b:s6+s2], $0x80, $0x38;
	[tilespmem:$0x14200] =	vst v63  }
0x21: {  	_ =	swait.ge [sflag:s24], $0x80  }
0x22: {  	[sflag:s24] =	ssyncset.done $0x0  }
0x23: {  	s1 =	simm.s32 $0x40;
	s0 =	simm.s32 $0x0;
	[sflag:s24] =	ssyncadd.s32 $0xFFFFFF80  }
.LBB2_2:
0x24: {  	p0 =	sne.s32 s1, $0x27FC0;
	[tilespmem:s0+$0x200] =	vst v0;
	s25 =	smov.u32 s1;
	s1 =	sadd.s32 $0x40, s1  }
.Ltmp0:
0x25: {  	[tilespmem:s0+$0xA200] =	vst v0;
	(pc) =	sbr.rel @p0 .LBB2_2-.Ltmp0, $2  }
0x26: {  	_ =	sdelay $0x2  }
0x27: {  	s0 =	sshra.s32 s25, $0x2  }
0x28: {  	[tilespmem:s0+$0x200] =	vst v0  }
0x29: {  	[tilespmem:s0+$0xA200] =	vst v0  }
0x2a: {  	v3 =	vld [tilespmem:$0x0]  }
0x2b: {  	v4 =	vld [tilespmem:$0x100];
	_ =	sdelay $0x2  }
0x2c: {  	v5 =	vld [tilespmem:$0x180]  }
0x2d: {  	vm0 =	vgt.s32 v3, $0x0  }
0x2e: {  	vm1 =	vgt.s32 v3, $0xFFFFFFFF;
	vm15 =	vgt.s32 v4, $0x0;
	v3 =	vnsel vm0, $0x0, v3  }
0x2f: {  	v6 =	vld [tilespmem:$0x80];
	vm2 =	vgt.s32 v4, $0xFFFFFFFF;
	v4 =	vnsel vm15, $0x0, v4;
	v3 =	vadd.s32 v1, v3  }
0x30: {  	v4 =	vadd.s32 v1, v4  }
0x31: {  	vm4 =	vgt.f32 v5, $0.0e+00;
	_ =	sdelay $0x2  }
0x32: {  	[tilespmem:v3+s29+$0x0] =	vst.idx.msk vm1, v6  }
0x33: {  	[tilespmem:v4+s29+$0x0] =	vst.idx.msk vm2, v5  }
0x34: {  	[tilespmem:v3+s30+$0x0] =	vst.idx.msk vm1, v2  }
0x35: {  	[tilespmem:v4+s30+$0x0] =	vst.idx.msk vm4, v2  }
0x36: {  	[hbm4b:s7+s2] =	stream.linear.scatter [tilespmem:s30], [sflag:$0x1], $0xA000, $0x38;
	[tilespmem:$0x14200] =	vst v63  }
0x37: {  	_ =	swait.ge [sflag:s24], $0xA000  }
0x38: {  	[sflag:s24] =	ssyncset.done $0x0  }
0x39: {  	[sflag:s24] =	ssyncadd.s32 $0xFFFF6000  }
0x3a: {  	[hbm4b:s8+s2] =	stream.linear.scatter [tilespmem:s29], [sflag:$0x1], $0xA000, $0x38;
	[tilespmem:$0x14200] =	vst v63  }
0x3b: {  	_ =	swait.ge [sflag:s24], $0xA000  }
0x3c: {  	[sflag:s24] =	ssyncset.done $0x0  }
0x3d: {  	[sflag:s24] =	ssyncadd.s32 $0xFFFF6000  }
0x3e: {  	[tilespmem:v3+s29+$0x0] =	vst.idx.msk vm1, v0  }
0x3f: {  	[tilespmem:v4+s29+$0x0] =	vst.idx.msk vm2, v0  }
0x40: {  	[tilespmem:v3+s30+$0x0] =	vst.idx.msk vm1, v0  }
0x41: {  	[tilespmem:v4+s30+$0x0] =	vst.idx.msk vm4, v0  }
0x42: {  	v3 =	vld [tilespmem:$0x10]  }
0x43: {  	v4 =	vld [tilespmem:$0x110];
	_ =	sdelay $0x2  }
0x44: {  	v50 =	vld [tilespmem:$0x190]  }
0x45: {  	vm5 =	vgt.s32 v3, $0x0  }
0x46: {  	vm6 =	vgt.s32 v3, $0xFFFFFFFF;
	vm7 =	vgt.s32 v4, $0x0;
	v3 =	vnsel vm5, $0x0, v3  }
0x47: {  	v51 =	vld [tilespmem:$0x90];
	vm8 =	vgt.s32 v4, $0xFFFFFFFF;
	v4 =	vnsel vm7, $0x0, v4;
	v3 =	vadd.s32 v1, v3  }
0x48: {  	v4 =	vadd.s32 v1, v4  }
0x49: {  	vm9 =	vgt.f32 v50, $0.0e+00;
	_ =	sdelay $0x2  }
0x4a: {  	[tilespmem:v3+s29+$0x0] =	vst.idx.msk vm6, v51  }
0x4b: {  	[tilespmem:v4+s29+$0x0] =	vst.idx.msk vm8, v50  }
0x4c: {  	[tilespmem:v3+s30+$0x0] =	vst.idx.msk vm6, v2  }
0x4d: {  	[tilespmem:v4+s30+$0x0] =	vst.idx.msk vm9, v2  }
0x4e: {  	[hbm4b:s9+s2] =	stream.linear.scatter [tilespmem:s30], [sflag:$0x1], $0xA000, $0x38;
	[tilespmem:$0x14200] =	vst v63  }
0x4f: {  	_ =	swait.ge [sflag:s24], $0xA000  }
0x50: {  	[sflag:s24] =	ssyncset.done $0x0  }
0x51: {  	[sflag:s24] =	ssyncadd.s32 $0xFFFF6000  }
0x52: {  	[hbm4b:s10+s2] =	stream.linear.scatter [tilespmem:s29], [sflag:$0x1], $0xA000, $0x38;
	[tilespmem:$0x14200] =	vst v63  }
0x53: {  	_ =	swait.ge [sflag:s24], $0xA000  }
0x54: {  	[sflag:s24] =	ssyncset.done $0x0  }
0x55: {  	[sflag:s24] =	ssyncadd.s32 $0xFFFF6000  }
0x56: {  	[tilespmem:v3+s29+$0x0] =	vst.idx.msk vm6, v0  }
0x57: {  	[tilespmem:v4+s29+$0x0] =	vst.idx.msk vm8, v0  }
0x58: {  	[tilespmem:v3+s30+$0x0] =	vst.idx.msk vm6, v0  }
0x59: {  	[tilespmem:v4+s30+$0x0] =	vst.idx.msk vm9, v0  }
0x5a: {  	v3 =	vld [tilespmem:$0x20]  }
0x5b: {  	v4 =	vld [tilespmem:$0x120];
	_ =	sdelay $0x2  }
0x5c: {  	v52 =	vld [tilespmem:$0x1A0]  }
0x5d: {  	vm10 =	vgt.s32 v3, $0x0  }
0x5e: {  	vm11 =	vgt.s32 v3, $0xFFFFFFFF;
	vm12 =	vgt.s32 v4, $0x0;
	v3 =	vnsel vm10, $0x0, v3  }
0x5f: {  	v53 =	vld [tilespmem:$0xA0];
	vm13 =	vgt.s32 v4, $0xFFFFFFFF;
	v4 =	vnsel vm12, $0x0, v4;
	v3 =	vadd.s32 v1, v3  }
0x60: {  	v4 =	vadd.s32 v1, v4  }
0x61: {  	vm14 =	vgt.f32 v52, $0.0e+00;
	_ =	sdelay $0x2  }
0x62: {  	[tilespmem:v3+s29+$0x0] =	vst.idx.msk vm11, v53  }
0x63: {  	[tilespmem:v4+s29+$0x0] =	vst.idx.msk vm13, v52  }
0x64: {  	[tilespmem:v3+s30+$0x0] =	vst.idx.msk vm11, v2  }
0x65: {  	[tilespmem:v4+s30+$0x0] =	vst.idx.msk vm14, v2  }
0x66: {  	[hbm4b:s11+s2] =	stream.linear.scatter [tilespmem:s30], [sflag:$0x1], $0xA000, $0x38;
	[tilespmem:$0x14200] =	vst v63  }
0x67: {  	_ =	swait.ge [sflag:s24], $0xA000  }
0x68: {  	[sflag:s24] =	ssyncset.done $0x0  }
0x69: {  	[sflag:s24] =	ssyncadd.s32 $0xFFFF6000  }
0x6a: {  	[hbm4b:s12+s2] =	stream.linear.scatter [tilespmem:s29], [sflag:$0x1], $0xA000, $0x38;
	[tilespmem:$0x14200] =	vst v63  }
0x6b: {  	_ =	swait.ge [sflag:s24], $0xA000  }
0x6c: {  	[sflag:s24] =	ssyncset.done $0x0  }
0x6d: {  	[sflag:s24] =	ssyncadd.s32 $0xFFFF6000  }
0x6e: {  	[tilespmem:v3+s29+$0x0] =	vst.idx.msk vm11, v0  }
0x6f: {  	[tilespmem:v4+s29+$0x0] =	vst.idx.msk vm13, v0  }
0x70: {  	[tilespmem:v3+s30+$0x0] =	vst.idx.msk vm11, v0  }
0x71: {  	[tilespmem:v4+s30+$0x0] =	vst.idx.msk vm14, v0  }
0x72: {  	v3 =	vld [tilespmem:$0x30]  }
0x73: {  	v4 =	vld [tilespmem:$0x130];
	_ =	sdelay $0x2  }
0x74: {  	v54 =	vld [tilespmem:$0x1B0]  }
0x75: {  	vm15 =	vgt.s32 v3, $0x0  }
0x76: {  	vm4 =	vgt.s32 v3, $0xFFFFFFFF;
	vm5 =	vgt.s32 v4, $0x0;
	v3 =	vnsel vm15, $0x0, v3  }
0x77: {  	v55 =	vld [tilespmem:$0xB0];
	vm6 =	vgt.s32 v4, $0xFFFFFFFF;
	v4 =	vnsel vm5, $0x0, v4;
	v3 =	vadd.s32 v1, v3  }
0x78: {  	v4 =	vadd.s32 v1, v4  }
0x79: {  	vm7 =	vgt.f32 v54, $0.0e+00;
	_ =	sdelay $0x2  }
0x7a: {  	[tilespmem:v3+s29+$0x0] =	vst.idx.msk vm4, v55  }
0x7b: {  	[tilespmem:v4+s29+$0x0] =	vst.idx.msk vm6, v54  }
0x7c: {  	[tilespmem:v3+s30+$0x0] =	vst.idx.msk vm4, v2  }
0x7d: {  	[tilespmem:v4+s30+$0x0] =	vst.idx.msk vm7, v2  }
0x7e: {  	[hbm4b:s13+s2] =	stream.linear.scatter [tilespmem:s30], [sflag:$0x1], $0xA000, $0x38;
	[tilespmem:$0x14200] =	vst v63  }
0x7f: {  	_ =	swait.ge [sflag:s24], $0xA000  }
0x80: {  	[sflag:s24] =	ssyncset.done $0x0  }
0x81: {  	[sflag:s24] =	ssyncadd.s32 $0xFFFF6000  }
0x82: {  	[hbm4b:s14+s2] =	stream.linear.scatter [tilespmem:s29], [sflag:$0x1], $0xA000, $0x38;
	[tilespmem:$0x14200] =	vst v63  }
0x83: {  	_ =	swait.ge [sflag:s24], $0xA000  }
0x84: {  	[sflag:s24] =	ssyncset.done $0x0  }
0x85: {  	[sflag:s24] =	ssyncadd.s32 $0xFFFF6000  }
0x86: {  	[tilespmem:v3+s29+$0x0] =	vst.idx.msk vm4, v0  }
0x87: {  	[tilespmem:v4+s29+$0x0] =	vst.idx.msk vm6, v0  }
0x88: {  	[tilespmem:v3+s30+$0x0] =	vst.idx.msk vm4, v0  }
0x89: {  	[tilespmem:v4+s30+$0x0] =	vst.idx.msk vm7, v0  }
0x8a: {  	v3 =	vld [tilespmem:$0x40]  }
0x8b: {  	v4 =	vld [tilespmem:$0x140];
	_ =	sdelay $0x2  }
0x8c: {  	v56 =	vld [tilespmem:$0x1C0]  }
0x8d: {  	vm8 =	vgt.s32 v3, $0x0  }
0x8e: {  	vm9 =	vgt.s32 v3, $0xFFFFFFFF;
	vm10 =	vgt.s32 v4, $0x0;
	v3 =	vnsel vm8, $0x0, v3  }
0x8f: {  	v57 =	vld [tilespmem:$0xC0];
	vm11 =	vgt.s32 v4, $0xFFFFFFFF;
	v4 =	vnsel vm10, $0x0, v4;
	v3 =	vadd.s32 v1, v3  }
0x90: {  	v4 =	vadd.s32 v1, v4  }
0x91: {  	vm12 =	vgt.f32 v56, $0.0e+00;
	_ =	sdelay $0x2  }
0x92: {  	[tilespmem:v3+s29+$0x0] =	vst.idx.msk vm9, v57  }
0x93: {  	[tilespmem:v4+s29+$0x0] =	vst.idx.msk vm11, v56  }
0x94: {  	[tilespmem:v3+s30+$0x0] =	vst.idx.msk vm9, v2  }
0x95: {  	[tilespmem:v4+s30+$0x0] =	vst.idx.msk vm12, v2  }
0x96: {  	[hbm4b:s15+s2] =	stream.linear.scatter [tilespmem:s30], [sflag:$0x1], $0xA000, $0x38;
	[tilespmem:$0x14200] =	vst v63  }
0x97: {  	_ =	swait.ge [sflag:s24], $0xA000  }
0x98: {  	[sflag:s24] =	ssyncset.done $0x0  }
0x99: {  	[sflag:s24] =	ssyncadd.s32 $0xFFFF6000  }
0x9a: {  	[hbm4b:s16+s2] =	stream.linear.scatter [tilespmem:s29], [sflag:$0x1], $0xA000, $0x38;
	[tilespmem:$0x14200] =	vst v63  }
0x9b: {  	_ =	swait.ge [sflag:s24], $0xA000  }
0x9c: {  	[sflag:s24] =	ssyncset.done $0x0  }
0x9d: {  	[sflag:s24] =	ssyncadd.s32 $0xFFFF6000  }
0x9e: {  	[tilespmem:v3+s29+$0x0] =	vst.idx.msk vm9, v0  }
0x9f: {  	[tilespmem:v4+s29+$0x0] =	vst.idx.msk vm11, v0  }
0xa0: {  	[tilespmem:v3+s30+$0x0] =	vst.idx.msk vm9, v0  }
0xa1: {  	[tilespmem:v4+s30+$0x0] =	vst.idx.msk vm12, v0  }
0xa2: {  	v3 =	vld [tilespmem:$0x50]  }
0xa3: {  	v4 =	vld [tilespmem:$0x150];
	_ =	sdelay $0x2  }
0xa4: {  	v58 =	vld [tilespmem:$0x1D0]  }
0xa5: {  	vm13 =	vgt.s32 v3, $0x0  }
0xa6: {  	vm14 =	vgt.s32 v3, $0xFFFFFFFF;
	vm15 =	vgt.s32 v4, $0x0;
	v3 =	vnsel vm13, $0x0, v3  }
0xa7: {  	v59 =	vld [tilespmem:$0xD0];
	vm4 =	vgt.s32 v4, $0xFFFFFFFF;
	v4 =	vnsel vm15, $0x0, v4;
	v3 =	vadd.s32 v1, v3  }
0xa8: {  	v4 =	vadd.s32 v1, v4  }
0xa9: {  	vm5 =	vgt.f32 v58, $0.0e+00;
	_ =	sdelay $0x2  }
0xaa: {  	[tilespmem:v3+s29+$0x0] =	vst.idx.msk vm14, v59  }
0xab: {  	[tilespmem:v4+s29+$0x0] =	vst.idx.msk vm4, v58  }
0xac: {  	[tilespmem:v3+s30+$0x0] =	vst.idx.msk vm14, v2  }
0xad: {  	[tilespmem:v4+s30+$0x0] =	vst.idx.msk vm5, v2  }
0xae: {  	[hbm4b:s17+s2] =	stream.linear.scatter [tilespmem:s30], [sflag:$0x1], $0xA000, $0x38;
	[tilespmem:$0x14200] =	vst v63  }
0xaf: {  	_ =	swait.ge [sflag:s24], $0xA000  }
0xb0: {  	[sflag:s24] =	ssyncset.done $0x0  }
0xb1: {  	[sflag:s24] =	ssyncadd.s32 $0xFFFF6000  }
0xb2: {  	[hbm4b:s18+s2] =	stream.linear.scatter [tilespmem:s29], [sflag:$0x1], $0xA000, $0x38;
	[tilespmem:$0x14200] =	vst v63  }
0xb3: {  	_ =	swait.ge [sflag:s24], $0xA000  }
0xb4: {  	[sflag:s24] =	ssyncset.done $0x0  }
0xb5: {  	[sflag:s24] =	ssyncadd.s32 $0xFFFF6000  }
0xb6: {  	[tilespmem:v3+s29+$0x0] =	vst.idx.msk vm14, v0  }
0xb7: {  	[tilespmem:v4+s29+$0x0] =	vst.idx.msk vm4, v0  }
0xb8: {  	[tilespmem:v3+s30+$0x0] =	vst.idx.msk vm14, v0  }
0xb9: {  	[tilespmem:v4+s30+$0x0] =	vst.idx.msk vm5, v0  }
0xba: {  	v3 =	vld [tilespmem:$0x60]  }
0xbb: {  	v4 =	vld [tilespmem:$0x160];
	_ =	sdelay $0x2  }
0xbc: {  	v60 =	vld [tilespmem:$0x1E0]  }
0xbd: {  	vm6 =	vgt.s32 v3, $0x0  }
0xbe: {  	vm7 =	vgt.s32 v3, $0xFFFFFFFF;
	vm8 =	vgt.s32 v4, $0x0;
	v3 =	vnsel vm6, $0x0, v3  }
0xbf: {  	v61 =	vld [tilespmem:$0xE0];
	vm9 =	vgt.s32 v4, $0xFFFFFFFF;
	v4 =	vnsel vm8, $0x0, v4;
	v3 =	vadd.s32 v1, v3  }
0xc0: {  	v4 =	vadd.s32 v1, v4  }
0xc1: {  	vm10 =	vgt.f32 v60, $0.0e+00;
	_ =	sdelay $0x2  }
0xc2: {  	[tilespmem:v3+s29+$0x0] =	vst.idx.msk vm7, v61  }
0xc3: {  	[tilespmem:v4+s29+$0x0] =	vst.idx.msk vm9, v60  }
0xc4: {  	[tilespmem:v3+s30+$0x0] =	vst.idx.msk vm7, v2  }
0xc5: {  	[tilespmem:v4+s30+$0x0] =	vst.idx.msk vm10, v2  }
0xc6: {  	[hbm4b:s19+s2] =	stream.linear.scatter [tilespmem:s30], [sflag:$0x1], $0xA000, $0x38;
	[tilespmem:$0x14200] =	vst v63  }
0xc7: {  	_ =	swait.ge [sflag:s24], $0xA000  }
0xc8: {  	[sflag:s24] =	ssyncset.done $0x0  }
0xc9: {  	[sflag:s24] =	ssyncadd.s32 $0xFFFF6000  }
0xca: {  	[hbm4b:s20+s2] =	stream.linear.scatter [tilespmem:s29], [sflag:$0x1], $0xA000, $0x38;
	[tilespmem:$0x14200] =	vst v63  }
0xcb: {  	_ =	swait.ge [sflag:s24], $0xA000  }
0xcc: {  	[sflag:s24] =	ssyncset.done $0x0  }
0xcd: {  	[sflag:s24] =	ssyncadd.s32 $0xFFFF6000  }
0xce: {  	[tilespmem:v3+s29+$0x0] =	vst.idx.msk vm7, v0  }
0xcf: {  	[tilespmem:v4+s29+$0x0] =	vst.idx.msk vm9, v0  }
0xd0: {  	[tilespmem:v3+s30+$0x0] =	vst.idx.msk vm7, v0  }
0xd1: {  	[tilespmem:v4+s30+$0x0] =	vst.idx.msk vm10, v0  }
0xd2: {  	v3 =	vld [tilespmem:$0x70]  }
0xd3: {  	v4 =	vld [tilespmem:$0x170];
	_ =	sdelay $0x2  }
0xd4: {  	v62 =	vld [tilespmem:$0x1F0]  }
0xd5: {  	vm11 =	vgt.s32 v3, $0x0  }
0xd6: {  	vm12 =	vgt.s32 v3, $0xFFFFFFFF;
	vm13 =	vgt.s32 v4, $0x0;
	v3 =	vnsel vm11, $0x0, v3  }
0xd7: {  	v63 =	vld [tilespmem:$0xF0];
	vm14 =	vgt.s32 v4, $0xFFFFFFFF;
	v4 =	vnsel vm13, $0x0, v4;
	v3 =	vadd.s32 v1, v3  }
0xd8: {  	v4 =	vadd.s32 v1, v4  }
0xd9: {  	vm15 =	vgt.f32 v62, $0.0e+00;
	_ =	sdelay $0x2  }
0xda: {  	[tilespmem:v3+s29+$0x0] =	vst.idx.msk vm12, v63  }
0xdb: {  	[tilespmem:v4+s29+$0x0] =	vst.idx.msk vm14, v62  }
0xdc: {  	[tilespmem:v3+s30+$0x0] =	vst.idx.msk vm12, v2  }
0xdd: {  	[tilespmem:v4+s30+$0x0] =	vst.idx.msk vm15, v2  }
0xde: {  	[hbm4b:s21+s2] =	stream.linear.scatter [tilespmem:s30], [sflag:$0x1], $0xA000, $0x38;
	[tilespmem:$0x14200] =	vst v63  }
0xdf: {  	_ =	swait.ge [sflag:s24], $0xA000  }
0xe0: {  	[sflag:s24] =	ssyncset.done $0x0  }
0xe1: {  	[sflag:s24] =	ssyncadd.s32 $0xFFFF6000  }
0xe2: {  	[hbm4b:s22+s2] =	stream.linear.scatter [tilespmem:s29], [sflag:$0x1], $0xA000, $0x38;
	[tilespmem:$0x14200] =	vst v63  }
0xe3: {  	s31 =	sadd.s32 $0x1, s31;
	_ =	swait.ge [sflag:s24], $0xA000  }
0xe4: {  	p0 =	sne.s32 s31, s23;
	[sflag:s24] =	ssyncset.done $0x0  }
.Ltmp1:
0xe5: {  	[sflag:s24] =	ssyncadd.s32 $0xFFFF6000;
	(pc) =	sbr.rel @p0 .LBB2_1-.Ltmp1, $4  }
0xe6: {  	[tilespmem:v3+s29+$0x0] =	vst.idx.msk vm12, v0  }
0xe7: {  	[tilespmem:v4+s29+$0x0] =	vst.idx.msk vm14, v0  }
0xe8: {  	[tilespmem:v3+s30+$0x0] =	vst.idx.msk vm12, v0  }
0xe9: {  	[tilespmem:v4+s30+$0x0] =	vst.idx.msk vm15, v0  }
0xea: {  	_ =	sfence.sel $0x180000  }
0xeb: {  	[bflag:$0x0] =	sbarrier.arrive $0xFFFF  }
0xec: {  	_ =	strace $0x90000047  }
0xed: {  	s0 =	stileid.u32;
	[bflag:$0x2] =	sbarrier.arrive $0xFFFF  }
0xee: {  	p0 =	sne.s32 s0, $0x0;
	s0 =	rddreg [dreg:$0x3]  }
0xef: {  	s0 =	sadd.s32 @!p0 $0x100000, s0  }
0xf0: {  	[sflag:s0] =	ssyncadd.tile.s32 @!p0 $0x1;
	_ =	shalt  }
.Lfunc_end2:
_tile_overlayer_lowered:
.L_overlay_start_2:
0xf1: {  	(tag) =	ssettag $0x2  }
0xf2: {  	s0 =	rddreg [dreg:$0x0];
	s2 =	stileid.u32  }
0xf3: {  	s1 =	rddreg [dreg:$0x1];
	p0 =	sne.s32 s2, $0x0  }
0xf4: {  	s3 =	rddreg [dreg:$0x2];
	[bflag:$0x3] =	sbarrier.arrive $0xFFFF;
	s2 =	simm.s32 @!p0 $0x1C01  }
0xf5: {  	[timem:s3], [sflag:s2] =	dma.local @!p0 [hbm:s0], s1  }
0xf6: {  	s0 =	simm.s32 @!p0 $0x1  }
0xf7: {  	_ =	swait.ge @!p0 [sflag:s0], s1  }
0xf8: {  	s1 =	ssub.s32 @!p0 $0x0, s1;
	[sflag:s0] =	ssyncset.done @!p0 $0x0  }
0xf9: {  	[sflag:s0] =	ssyncadd.s32 @!p0 s1  }
0xfa: {  	[bflag:$0x3] =	sbarrier.arrive $0xFFFF  }
0xfb: {  	_ =	shalt  }

// kernel: sparse-core-data-format-call.1.cloned.1.call-start
scs
called_computation.1_lowered:
.L_overlay_start_0:
0x0: {  	s2 =	sld [smem:$0x3FD9]  }
0x1: {  	s3 =	sld [smem:$0x3FFE];
	_ =	sdelay $0x1  }
0x2: {  	s1 =	srdreg.scid  }
0x3: {  	s0 =	sand.u32 $0x1, s1  }
0x4: {  	s15 =	sshll.u32 s0, $0xA;
	s2 =	sadd.s32 s3, s2  }
0x5: {  	s2 =	sadd.s32 s2, s15  }
0x6: {  	[smem:$0x3FC6] =	sst s2  }
0x7: {  	_ = 	snop  }
0x8: {  	s2 =	sld [smem:$0x3FD0];
	_ =	sdelay $0x2  }
0x9: {  	s16 =	simm.s32 $0xB;
	s4 =	simm.s32 $0x10  }
0xa: {  	[smem:s4], [sflag:s16] =	dma.local [hbm:s2], $0x1  }
0xb: {  	_ =	swait.eq [sflag:s16], $0x1  }
0xc: {  	[sflag:s16] =	ssyncset.done $0x0  }
0xd: {  	[sflag:s16] =	ssyncadd.s32 $0xFFFFFFFF  }
0xe: {  	s17 =	sld [smem:$0x10];
	(tm) =	ssettm $0x1  }
0xf: {  	s18 =	sld [smem:$0x3FFB];
	_ =	sdelay $0x3  }
0x10: {  	_ =	strace s18  }
0x11: {  	s3 =	sld [smem:$0x3FFC];
	_ =	sdelay $0x3  }
0x12: {  	_ =	strace s3  }
0x13: {  	s3 =	sld [smem:$0x3FFD];
	_ =	sdelay $0x3  }
0x14: {  	_ =	strace s3  }
0x15: {  	_ =	strace $0x8FFFFFFF  }
0x16: {  	s19 =	sld [smem:$0x3FDB];
	_ =	sdelay $0x1  }
0x17: {  	s20 =	simm.s32 $_scs_section_size  }
0x18: {  	s5 =	simm.s32 $_size__tile_overlayer_lowered;
	s6 =	simm.s32 $_tile_overlayer_lowered  }
0x19: {  	s23 =	simm.s32 $0x1BFF;
	s22 =	sshll.u32 s6, $0x1;
	s3 =	sadd.s32 s20, s19  }
0x1a: {  	s7 =	simm.s32 $0x0;
	s21 =	sshll.u32 s5, $0x1;
	s5 =	sadd.s32 s22, s3  }
0x1b: {  	[timem:s7], [sflag:s23] =	dma.local [hbm:s5], s21  }
0x1c: {  	_ =	swait.ge [sflag:s23], s21  }
0x1d: {  	s4 =	ssub.s32 $0x0, s21;
	[sflag:s23] =	ssyncset.done $0x0  }
0x1e: {  	[sflag:s23] =	ssyncadd.s32 s4;
	_ =	sdelay $0x1  }
0x1f: {  	s24 =	simm.s32 $0x1B8B  }
0x20: {  	_ =	swait.ge [sflag:s24], $0x1  }
0x21: {  	[sflag:s24] =	ssyncset.done $0x0  }
0x22: {  	s26 =	simm.s32 $0x1B8E;
	s25 =	sld [smem:$0x3FFE];
	[sflag:s24] =	ssyncadd.s32 $0xFFFFFFFF  }
0x23: {  	s27 =	simm.s32 $execute0_lowered;
	[smem:$0x3FD2] =	sst s26  }
0x24: {  	s5 =	sshll.u32 s27, $0x1;
	_ =	strace $0x80000049;
	[dreg:$0x1] =	wrdreg $0xFFFFFFFF  }
0x25: {  	s28 =	simm.s32 $_size_execute0_lowered;
	s3 =	sadd.s32 s3, s5;
	[dreg:$0x0] =	wrdreg $0x0  }
0x26: {  	s5 =	sshll.u32 s28, $0x1;
	[dreg:$0x2] =	wrdreg s3  }
0x27: {  	[dreg:$0x3] =	wrdreg s5  }
0x28: {  	[dreg:$0x4] =	wrdreg $0xC0  }
0x29: {  	_ =	task [dreg:s7], $0x5FFFF  }
0x2a: {  	[dreg:$0x1] =	wrdreg $0xFFFFFFFF  }
0x2b: {  	[dreg:$0x0] =	wrdreg $0x60  }
0x2c: {  	[dreg:$0x2] =	wrdreg s25  }
0x2d: {  	[dreg:$0x3] =	wrdreg s17  }
0x2e: {  	[dreg:$0x4] =	wrdreg $0xA  }
0x2f: {  	_ =	task.clear_ibuf [dreg:s7], $0x5FFFF;
	_ =	strace $0x90000049  }
0x30: {  	s29 =	simm.s32 $0xA;
	_ =	strace $0x8000004B  }
0x31: {  	_ =	swait.ge [sflag:s29], $0x1  }
0x32: {  	[sflag:s29] =	ssyncadd.s32 $0xFFFFFFFF  }
0x33: {  	_ =	strace $0x9000004B  }
0x34: {  	_ =	sfence  }
0x35: {  	s30 =	sld [smem:$0x0];
	_ =	sdelay $0x2  }
0x36: {  	s31 =	sshll.u32 s1, $0xD;
	s1 =	sshrl.u32 s1, $0x2  }
0x37: {  	s3 =	sand.u32 $0x4000, s31;
	s1 =	sadd.s32 s1, s30  }
0x38: {  	s0 =	sor.u32 s3, s0;
	s1 =	sshll.u32 s1, $0x11  }
0x39: {  	s0 =	sor.u32 s1, s0  }
0x3a: {  	s0 =	sadd.s32 $0x8F2B, s0  }
0x3b: {  	[sflag:s0] =	ssyncadd.remote.s32 $0x1  }
0x3c: {  	_ =	sfence.sel $0xFFFF  }
0x3d: {  	[dreg:$0x0] =	wrdreg $0xFFFFFFFF;
	(pc) =	sbr.abs _section_cstart, $3  }
0x3e: {  	[dreg:$0x1] =	wrdreg $0xFFFFFFFF  }
0x3f: {  	_ =	task.clear_ibuf [dreg:s7], $0x2FFFF;
	_ =	strace $0x9FFFFFFF  }
0x40: {  	(tm) =	ssettm $0x7FFFFFFF  }
0x41: {  	_ =	shalt  }
tec
execute0_lowered:
.L_overlay_start_1:
0x0: {  	(tag) =	ssettag $0x1  }
0x1: {  	s0 =	stileid.u32  }
0x2: {  	s1 =	srdreg.scid;
	s5 =	rddreg [dreg:$0x0];
	s31 =	simm.s32 $0x2  }
0x3: {  	s17 =	simm.s32 $0x0;
	s9 =	simm.s32 $0x4000;
	s18 =	simm.s32 $0x0  }
0x4: {  	s19 =	simm.s32 $0x0;
	s2 =	sshll.u32 s0, $0x6;
	s1 =	sshll.u32 s1, $0xA  }
0x5: {  	s10 =	simm.s32 $0x0;
	s11 =	simm.s32 $0x0;
	s1 =	sor.u32 s2, s1  }
0x6: {  	s12 =	simm.s32 $0x0;
	s13 =	simm.s32 $0x0;
	s1 =	sand.u32 $0x780, s1  }
0x7: {  	s16 =	simm.s32 $0x0;
	s2 =	sand.u32 $0x1, s0;
	s3 =	ssub.s32 $0x800, s1  }
0x8: {  	s5 =	sadd.s32 $0x1A00, s5;
	s4 =	ssub.s32 $0x2, s2;
	s6 =	sand.u32 $0x780, s3  }
0x9: {  	s7 =	sshrl.u32 s4, $0x1;
	p0 =	sne.s32 s6, $0x0;
	s6 =	simm.s32 $0x1  }
0xa: {  	s8 =	sand.u32 $0x1, s4;
	s3 =	sshrl.u32 s3, $0xB;
	s6 =	simm.s32 @!p0 $0x0  }
.Ltmp0:
0xb: {  	s7 =	sadd.s32 s8, s7;
	s6 =	sadd.s32 s6, s3;
	(pc) =	sbr.rel .LBB1_1-.Ltmp0, $4  }
0xc: {  	s15 =	smov.u32 s2;
	s4 =	rddreg [dreg:$0x1];
	s7 =	smul.u32 s6, s7  }
0xd: {  	s3 =	rddreg [dreg:$0x2];
	_ =	strace $0x8000004A;
	s6 =	simm.s32 $0x1  }
0xe: {  	s14 =	smov.u32 s1;
	[sflag:s6] =	ssyncpa.u1 $0x0;
	s7 =	sshll.u32 s7, $0x6  }
0xf: {  	p0 =	por $0x0, $0x0;
	[sflag:s31] =	ssyncpa.u1 $0x0;
	s8 =	sor.u32 $0x1, s7  }
.LBB1_4:
0x10: {  	s22 =	sshll.u32 s11, $0x3;
	s23 =	sshra.s32 s12, $0x1F  }
0x11: {  	p1 =	sgt.s32 s12, $0x1;
	s25 =	smov.u32 s12;
	p2 =	sgt.s32 s11, $0x780  }
0x12: {  	s27 =	sshra.s32 s11, $0x1F;
	s28 =	smov.u32 s10;
	s29 =	sshra.s32 s10, $0x1F  }
0x13: {  	s31 =	sand.u32 $0x78, s11;
	s24 =	sshrl.u32 s22, $0xB;
	s23 =	sand.u32 s23, s12  }
0x14: {  	s25 =	simm.s32 @!p1 $0x1;
	s27 =	sand.u32 s27, s11;
	s22 =	sand.u32 $0x400, s22  }
0x15: {  	s26 =	smulhi.u32 $0x6666667, s24;
	s23 =	sxor.u32 $0xFFFFFFFF, s23;
	s22 =	sor.u32 s31, s22  }
0x16: {  	s31 =	smul.u32 $0x2800, s10;
	s23 =	sadd.s32 s23, s25;
	s25 =	smov.u32 s11  }
0x17: {  	p1 =	sgt.s32 s23, $0x0;
	s25 =	simm.s32 @!p2 $0x780;
	p2 =	sgt.s32 s10, $0x3F  }
0x18: {  	s23 =	ssub.s32 $0x1, s23;
	s26 =	smul.u32 $0x28, s26;
	s25 =	ssub.s32 s25, s27  }
0x19: {  	s28 =	simm.s32 @!p2 $0x3F;
	s27 =	sand.u32 s29, s10;
	s23 =	smul.u32 $0x28, s23  }
0x1a: {  	s27 =	ssub.s32 s28, s27;
	s30 =	sadd.s32 $0xFFFFF880, s25;
	s25 =	ssub.s32 $0x800, s25  }
0x1b: {  	s24 =	ssub.s32 s24, s26;
	p2 =	sgt.s32 s30, $0x7F;
	s23 =	simm.s32 @p1 $0x0  }
0x1c: {  	s29 =	sadd.s32 $0xFFFFFFC1, s27;
	s30 =	smul.u32 $0xA0000, s12;
	s25 =	simm.s32 @p2 $0x0  }
0x1d: {  	p1 =	sgt.s32 s29, $0x0;
	s23 =	smul.u32 s25, s23;
	s25 =	ssub.s32 $0x40, s27  }
0x1e: {  	s28 =	sand.u32 $0x7, s11;
	s27 =	sadd.s32 s4, s30;
	s25 =	simm.s32 @p1 $0x0  }
0x1f: {  	[tilespmem:s21+$0x810 ss:$0x81] =	vst.msk $0xffff, v2;
	s24 =	sshll.u32 s24, $0x8;
	s23 =	smul.u32 s25, s23;
	s25 =	sadd.s32 s31, s27  }
0x20: {  	[tilespmem:s21+$0x1020 ss:$0x81] =	vst.msk $0xffff, v0;
	s22 =	sshrl.u32 s22, $0x3;
	s29 =	sshll.u32 s28, $0x12;
	s24 =	sadd.s32 s24, s25  }
0x21: {  	[tilespmem:s21+$0x0 ss:$0x81] =	vst.msk $0xffff, v1;
	s31 =	sor.u32 $0x400, s29;
	s30 =	sand.u32 $0x3FFFFFF8, s23;
	s22 =	sadd.s32 s22, s24  }
0x22: {  	[hbm4b:s22+s31] =	stream.strided.scatter [tilespmem:s20], [sflag:$0x2], s30, s9, s31, $0x20;
	[tilespmem:$0x8080] =	vst v63  }
.LBB1_5:
0x23: {  	p1 =	slt.u32 s16, $0x2;
	s21 =	smov.u32 s19  }
0x24: {  	s22 =	smov.u32 s17;
	p2 =	sgt.s32 @!p1 s19, $0x1;
	s20 =	sshra.s32 @!p1 s19, $0x1F  }
0x25: {  	p3 =	sgt.s32 @!p1 s18, $0x780;
	p2 =	por !p2, p1;
	s19 =	sand.u32 @!p1 s20, s19  }
0x26: {  	p3 =	por !p3, p1;
	s20 =	smov.u32 s18;
	s21 =	simm.s32 @p2 $0x1  }
0x27: {  	s19 =	sxor.u32 @!p1 $0xFFFFFFFF, s19;
	s20 =	simm.s32 @p3 $0x780;
	p3 =	sgt.s32 @!p1 s17, $0x3F  }
0x28: {  	s19 =	sadd.s32 @!p1 s19, s21;
	s21 =	sshra.s32 @!p1 s18, $0x1F;
	p3 =	por !p3, p1  }
0x29: {  	p2 =	sgt.s32 @!p1 s19, $0x0;
	s18 =	sand.u32 @!p1 s21, s18;
	s21 =	sshra.s32 @!p1 s17, $0x1F  }
0x2a: {  	s22 =	simm.s32 @p3 $0x3F;
	s19 =	ssub.s32 @!p1 $0x1, s19;
	s18 =	ssub.s32 @!p1 s20, s18  }
0x2b: {  	s17 =	sand.u32 @!p1 s21, s17;
	s19 =	smul.u32 @!p1 $0x28, s19;
	s20 =	sadd.s32 @!p1 $0xFFFFF880, s18  }
0x2c: {  	p2 =	por !p2, p1;
	s17 =	ssub.s32 @!p1 s22, s17;
	p3 =	sgt.s32 @!p1 s20, $0x7F  }
0x2d: {  	s18 =	ssub.s32 @!p1 $0x800, s18;
	s21 =	sadd.s32 @!p1 $0xFFFFFFC1, s17;
	p3 =	por !p3, p1  }
0x2e: {  	s19 =	simm.s32 @!p2 $0x0;
	s18 =	simm.s32 @!p3 $0x0;
	p3 =	sgt.s32 @!p1 s21, $0x0  }
0x2f: {  	s17 =	ssub.s32 @!p1 $0x40, s17;
	p2 =	por !p3, p1;
	s18 =	smul.u32 @!p1 s18, s19  }
0x30: {  	s20 =	sadd.s32 $0x1, s13;
	s21 =	smov.u32 s14;
	s17 =	simm.s32 @!p2 $0x0  }
0x31: {  	p2 =	sgt.s32 s20, $0x3F;
	s17 =	smul.u32 @!p1 s17, s18;
	s18 =	sadd.s32 $0x800, s14  }
0x32: {  	s21 =	smov.u32 @p2 s18  }
0x33: {  	s23 =	smov.u32 s15;
	s18 =	sadd.s32 $0x2, s15;
	p3 =	sgt.s32 s21, $0x7FF  }
0x34: {  	p0 =	por !p0, !p0;
	s22 =	simm.s32 @!p1 $0x2;
	s23 =	smov.u32 @p3 s18  }
0x35: {  	s19 =	smov.u32 s12;
	s20 =	simm.s32 @p2 $0x0;
	p2 =	sgt.s32 s23, $0x1  }
0x36: {  	s17 =	sand.u32 @!p1 $0x3FFFFFF8, s17;
	s23 =	smov.u32 @p2 s2;
	p2 =	sne.s32 s16, s8  }
.Ltmp1:
0x37: {  	s12 =	smov.u32 s15;
	_ =	swait.ge @!p1 [sflag:s22], s17;
	(pc) =	sbr.rel @!p2 .LBB1_6-.Ltmp1, $4  }
0x38: {  	s24 =	ssub.s32 @!p1 $0x0, s17;
	s21 =	smov.u32 @p3 s1;
	s17 =	smov.u32 s10  }
0x39: {  	s18 =	smov.u32 s11;
	s10 =	smov.u32 s13;
	s11 =	smov.u32 s14  }
0x3a: {  	s13 =	smov.u32 s20;
	[sflag:s22] =	ssyncset.done @!p1 $0x0;
	s14 =	smov.u32 s21  }
0x3b: {  	s16 =	sadd.s32 $0x1, s16;
	[sflag:s22] =	ssyncadd.s32 @!p1 s24;
	s15 =	smov.u32 s23  }
.LBB1_1:
0x3c: {  	p1 =	sge.u32 s16, s7;
	s31 =	sadd.s32 $0xFFFFFFFF, s16  }
0x3d: {  	s20 =	sxor.u32 @!p1 $0xFFFFFFFF, s16;
	s21 =	sshll.u32 @!p1 s15, $0x15;
	s22 =	sshll.u32 @!p1 s14, $0xA  }
0x3e: {  	s23 =	sshll.u32 @!p1 s13, $0x4;
	s20 =	sshll.u32 @!p1 s20, $0xD;
	s21 =	sadd.s32 @!p1 s5, s21  }
0x3f: {  	s23 =	sand.u32 @!p1 $0x3F0, s23;
	s20 =	sand.u32 @!p1 $0x2000, s20;
	s21 =	sadd.s32 @!p1 s22, s21  }
0x40: {  	s22 =	simm.s32 @!p1 $0x40;
	s21 =	sadd.s32 @!p1 s23, s21;
	s23 =	simm.s32 @!p1 $0x2000  }
0x41: {  	[tilespmem:s20], [sflag:$0x1] =	stream.strided.gather @!p1 [hbm4b:s21+s22], $0x2000, s23, s22, $0x38;
	[tilespmem:$0x8080] =	vst v63  }
0x42: {  	p1 =	sge.u32 s31, s7  }
.Ltmp2:
0x43: {  	_ = 	snop;
	(pc) =	sbr.rel @p1 .LBB1_5-.Ltmp2, $1  }
0x44: {  	_ =	sdelay $0x3  }
0x45: {  	s20 =	simm.s32 $0x1  }
0x46: {  	_ =	swait.ge [sflag:s6], $0x2000;
	s20 =	simm.s32 @!p0 $0x0  }
0x47: {  	[sflag:s6] =	ssyncset.done $0x0;
	s21 =	sshll.u32 s20, $0xD  }
0x48: {  	[sflag:s6] =	ssyncadd.s32 $0xFFFFE000;
	s24 =	sor.u32 $0x20, s21  }
0x49: {  	s20 =	smul.u32 $0x8100, s20;
	v3 =	vld [tilespmem:s24+$0x10]  }
0x4a: {  	s30 =	sand.u32 $0x1, s16;
	v2 =	vld [tilespmem:s24+$0xFFFFFFF0]  }
0x4b: {  	s21 =	smul.u32 $0x8100, s30;
	s20 =	sshrl.u32 s20, $0x2;
	v0 =	vld [tilespmem:s24+$0x0]  }
0x4c: {  	v1 =	vld [tilespmem:s24+$0xFFFFFFE0];
	s22 =	sor.u32 $0x4000, s20  }
0x4d: {  	s31 =	sshrl.u32 s21, $0x2;
	s21 =	sadd.s32 $0x0, s22  }
0x4e: {  	s23 =	simm.s32 $0x4;
	s24 =	sadd.s32 $0x40, s24;
	s20 =	sor.u32 $0x4000, s31;
	[tilespmem:s21+$0x1830 ss:$0x81] =	vst.msk $0xffff, v3  }
.LBB1_3:
0x4f: {  	v3 =	vld [tilespmem:s24+$0x10];
	p1 =	sne.s32 s23, $0x1FC;
	[tilespmem:s21+$0x810 ss:$0x81] =	vst.msk $0xffff, v2;
	s25 =	smov.u32 s23;
	s23 =	sadd.s32 $0x4, s23  }
.Ltmp3:
0x50: {  	v2 =	vld [tilespmem:s24+$0xFFFFFFF0];
	[tilespmem:s21+$0x1020 ss:$0x81] =	vst.msk $0xffff, v0;
	(pc) =	sbr.rel @p1 .LBB1_3-.Ltmp3, $4  }
0x51: {  	v0 =	vld [tilespmem:s24+$0x0];
	[tilespmem:s21+$0x0 ss:$0x81] =	vst.msk $0xffff, v1  }
0x52: {  	s21 =	sshra.s32 s25, $0x2;
	v1 =	vld [tilespmem:s24+$0xFFFFFFE0]  }
0x53: {  	s21 =	sadd.s32 s21, s22  }
0x54: {  	s24 =	sadd.s32 $0x40, s24;
	[tilespmem:s21+$0x1830 ss:$0x81] =	vst.msk $0xffff, v3  }
.Ltmp4:
0x55: {  	_ = 	snop;
	(pc) =	sbr.rel .LBB1_4-.Ltmp4, $1  }
0x56: {  	_ =	sdelay $0x3  }
.LBB1_6:
0x57: {  	_ =	sfence.sel $0x180000  }
0x58: {  	s1 =	simm.s32 $0x1;
	[bflag:$0x0] =	sbarrier.arrive $0xFFFF  }
0x59: {  	s31 =	simm.s32 $0x2;
	[sflag:s1] =	ssyncpa.u1 $0x1  }
0x5a: {  	[sflag:s31] =	ssyncpa.u1 $0x1  }
0x5b: {  	p0 =	sne.s32 s0, $0x0;
	_ =	strace $0x9000004A  }
0x5c: {  	s0 =	sadd.s32 @!p0 $0x100000, s3;
	[bflag:$0x2] =	sbarrier.arrive $0xFFFF  }
0x5d: {  	[sflag:s0] =	ssyncadd.tile.s32 @!p0 $0x1;
	_ =	shalt  }
.Lfunc_end1:
_tile_overlayer_lowered:
.L_overlay_start_2:
0x5e: {  	(tag) =	ssettag $0x2  }
0x5f: {  	s0 =	rddreg [dreg:$0x0];
	s2 =	stileid.u32  }
0x60: {  	s1 =	rddreg [dreg:$0x1];
	p0 =	sne.s32 s2, $0x0  }
0x61: {  	s3 =	rddreg [dreg:$0x2];
	[bflag:$0x3] =	sbarrier.arrive $0xFFFF;
	s2 =	simm.s32 @!p0 $0x1C01  }
0x62: {  	[timem:s3], [sflag:s2] =	dma.local @!p0 [hbm:s0], s1  }
0x63: {  	s0 =	simm.s32 @!p0 $0x1  }
0x64: {  	_ =	swait.ge @!p0 [sflag:s0], s1  }
0x65: {  	s1 =	ssub.s32 @!p0 $0x0, s1;
	[sflag:s0] =	ssyncset.done @!p0 $0x0  }
0x66: {  	[sflag:s0] =	ssyncadd.s32 @!p0 s1  }
0x67: {  	[bflag:$0x3] =	sbarrier.arrive $0xFFFF  }
0x68: {  	_ =	shalt  }

// kernel: sparse-core-data-format-call.cloned.1.call-start
scs
called_computation_lowered:
.L_overlay_start_0:
0x0: {  	s2 =	sld [smem:$0x3FD9]  }
0x1: {  	s3 =	sld [smem:$0x3FFE];
	_ =	sdelay $0x1  }
0x2: {  	s1 =	srdreg.scid  }
0x3: {  	s0 =	sand.u32 $0x1, s1  }
0x4: {  	s16 =	sshll.u32 s0, $0xA;
	s2 =	sadd.s32 s3, s2  }
0x5: {  	s2 =	sadd.s32 s2, s16  }
0x6: {  	[smem:$0x3FC6] =	sst s2  }
0x7: {  	_ = 	snop  }
0x8: {  	s2 =	sld [smem:$0x3FD0];
	_ =	sdelay $0x2  }
0x9: {  	s17 =	simm.s32 $0xB;
	s4 =	simm.s32 $0x10  }
0xa: {  	[smem:s4], [sflag:s17] =	dma.local [hbm:s2], $0x1  }
0xb: {  	_ =	swait.eq [sflag:s17], $0x1  }
0xc: {  	[sflag:s17] =	ssyncset.done $0x0  }
0xd: {  	[sflag:s17] =	ssyncadd.s32 $0xFFFFFFFF  }
0xe: {  	s18 =	sld [smem:$0x11];
	(tm) =	ssettm $0x1  }
0xf: {  	s19 =	sld [smem:$0x3FFB];
	_ =	sdelay $0x3  }
0x10: {  	_ =	strace s19  }
0x11: {  	s2 =	sld [smem:$0x3FFC];
	_ =	sdelay $0x3  }
0x12: {  	_ =	strace s2  }
0x13: {  	s2 =	sld [smem:$0x3FFD];
	_ =	sdelay $0x3  }
0x14: {  	_ =	strace s2  }
0x15: {  	_ =	strace $0x8FFFFFFF  }
0x16: {  	s20 =	sld [smem:$0x3FDB];
	_ =	sdelay $0x1  }
0x17: {  	s21 =	simm.s32 $_scs_section_size  }
0x18: {  	s5 =	simm.s32 $_size__tile_overlayer_lowered;
	s6 =	simm.s32 $_tile_overlayer_lowered  }
0x19: {  	s7 =	simm.s32 $0x1BFF;
	s22 =	sshll.u32 s6, $0x1;
	s4 =	sadd.s32 s21, s20  }
0x1a: {  	s23 =	simm.s32 $0x0;
	s5 =	sshll.u32 s5, $0x1;
	s6 =	sadd.s32 s22, s4  }
0x1b: {  	[timem:s23], [sflag:s7] =	dma.local [hbm:s6], s5  }
0x1c: {  	_ =	swait.ge [sflag:s7], s5  }
0x1d: {  	s5 =	ssub.s32 $0x0, s5;
	[sflag:s7] =	ssyncset.done $0x0  }
0x1e: {  	[sflag:s7] =	ssyncadd.s32 s5;
	_ =	sdelay $0x1  }
0x1f: {  	s24 =	simm.s32 $0x1B8B  }
0x20: {  	_ =	swait.ge [sflag:s24], $0x1  }
0x21: {  	[sflag:s24] =	ssyncset.done $0x0  }
0x22: {  	[sflag:s24] =	ssyncadd.s32 $0xFFFFFFFF  }
0x23: {  	s5 =	sld [smem:$0x0]  }
0x24: {  	s6 =	sand.u32 $0xFFFFFFFE, s1  }
0x25: {  	p0 =	sne.s32 s1, s6  }
0x26: {  	s6 =	sshll.u32 @p0 s6, $0xE  }
0x27: {  	s6 =	sadd.s32 @p0 $0x11B8D, s6;
	s7 =	sshll.u32 @p0 s5, $0x11  }
0x28: {  	s6 =	sor.u32 @p0 s7, s6  }
0x29: {  	[sflag:s6] =	ssyncadd.remote.s32 @p0 $0x1;
	_ =	sdelay $0x1  }
0x2a: {  	s6 =	simm.s32 @p0 $0x1B8D  }
0x2b: {  	_ =	swait.eq @p0 [sflag:s6], $0x1  }
0x2c: {  	[sflag:s6] =	ssyncadd.s32 @p0 $0xFFFFFFFF  }
0x2d: {  	s7 =	sshll.u32 @!p0 s1, $0xE  }
0x2e: {  	s7 =	sor.u32 @!p0 $0x4000, s7;
	s6 =	simm.s32 @!p0 $0x1B8D  }
0x2f: {  	s5 =	sshll.u32 @!p0 s5, $0x11;
	s7 =	sadd.s32 @!p0 $0x11B8D, s7;
	_ =	swait.eq @!p0 [sflag:s6], $0x1  }
0x30: {  	s5 =	sor.u32 @!p0 s5, s7;
	[sflag:s6] =	ssyncadd.s32 @!p0 $0xFFFFFFFF  }
0x31: {  	s26 =	simm.s32 $0x1B8E;
	s25 =	sld [smem:$0x3FFE];
	[sflag:s5] =	ssyncadd.remote.s32 @!p0 $0x1  }
0x32: {  	s27 =	simm.s32 $execute0_lowered;
	[smem:$0x3FD2] =	sst s26  }
0x33: {  	s6 =	sshll.u32 s27, $0x1;
	_ =	strace $0x8000004C;
	[dreg:$0x1] =	wrdreg $0xFFFFFFFF  }
0x34: {  	s28 =	simm.s32 $_size_execute0_lowered;
	s4 =	sadd.s32 s4, s6;
	[dreg:$0x0] =	wrdreg $0x0  }
0x35: {  	s6 =	sshll.u32 s28, $0x1;
	[dreg:$0x2] =	wrdreg s4  }
0x36: {  	[dreg:$0x3] =	wrdreg s6  }
0x37: {  	[dreg:$0x4] =	wrdreg $0xC0  }
0x38: {  	_ =	task [dreg:s23], $0x5FFFF  }
0x39: {  	[dreg:$0x1] =	wrdreg $0xFFFFFFFF  }
0x3a: {  	[dreg:$0x0] =	wrdreg $0x60  }
0x3b: {  	[dreg:$0x2] =	wrdreg s25  }
0x3c: {  	[dreg:$0x3] =	wrdreg s18  }
0x3d: {  	[dreg:$0x4] =	wrdreg $0x9  }
0x3e: {  	_ =	task.clear_ibuf [dreg:s23], $0x5FFFF;
	_ =	strace $0x9000004C  }
0x3f: {  	s29 =	simm.s32 $0x9;
	_ =	strace $0x8000004E  }
0x40: {  	_ =	swait.ge [sflag:s29], $0x1  }
0x41: {  	[sflag:s29] =	ssyncadd.s32 $0xFFFFFFFF  }
0x42: {  	_ =	strace $0x9000004E  }
0x43: {  	_ =	sfence  }
0x44: {  	s30 =	sld [smem:$0x0];
	_ =	sdelay $0x2  }
0x45: {  	s31 =	sshll.u32 s1, $0xD;
	s1 =	sshrl.u32 s1, $0x2  }
0x46: {  	s4 =	sand.u32 $0x4000, s31;
	s1 =	sadd.s32 s1, s30  }
0x47: {  	s0 =	sor.u32 s4, s0;
	s1 =	sshll.u32 s1, $0x11  }
0x48: {  	s0 =	sor.u32 s1, s0  }
0x49: {  	s0 =	sadd.s32 $0x8F2B, s0  }
0x4a: {  	[sflag:s0] =	ssyncadd.remote.s32 $0x1  }
0x4b: {  	_ =	sfence.sel $0xFFFF  }
0x4c: {  	[dreg:$0x0] =	wrdreg $0xFFFFFFFF;
	(pc) =	sbr.abs _section_cstart, $3  }
0x4d: {  	[dreg:$0x1] =	wrdreg $0xFFFFFFFF  }
0x4e: {  	_ =	task.clear_ibuf [dreg:s23], $0x2FFFF;
	_ =	strace $0x9FFFFFFF  }
0x4f: {  	(tm) =	ssettm $0x7FFFFFFF  }
tec
execute0_lowered:
.L_overlay_start_1:
0x0: {  	(tag) =	ssettag $0x1  }
0x1: {  	s0 =	stileid.u32  }
0x2: {  	s1 =	srdreg.scid;
	s5 =	rddreg [dreg:$0x0];
	s31 =	simm.s32 $0x2  }
0x3: {  	s17 =	simm.s32 $0x0;
	s9 =	simm.s32 $0x4000;
	s18 =	simm.s32 $0x0  }
0x4: {  	s19 =	simm.s32 $0x0;
	s2 =	sshll.u32 s0, $0x6;
	s1 =	sshll.u32 s1, $0xA  }
0x5: {  	s10 =	simm.s32 $0x0;
	s11 =	simm.s32 $0x0;
	s1 =	sor.u32 s2, s1  }
0x6: {  	s12 =	simm.s32 $0x0;
	s13 =	simm.s32 $0x0;
	s1 =	sand.u32 $0x780, s1  }
0x7: {  	s16 =	simm.s32 $0x0;
	s2 =	sand.u32 $0x1, s0;
	s3 =	ssub.s32 $0x800, s1  }
0x8: {  	s5 =	sadd.s32 $0x401A00, s5;
	s4 =	ssub.s32 $0x2, s2;
	s6 =	sand.u32 $0x780, s3  }
0x9: {  	s7 =	sshrl.u32 s4, $0x1;
	p0 =	sne.s32 s6, $0x0;
	s6 =	simm.s32 $0x1  }
0xa: {  	s8 =	sand.u32 $0x1, s4;
	s3 =	sshrl.u32 s3, $0xB;
	s6 =	simm.s32 @!p0 $0x0  }
.Ltmp0:
0xb: {  	s7 =	sadd.s32 s8, s7;
	s6 =	sadd.s32 s6, s3;
	(pc) =	sbr.rel .LBB1_1-.Ltmp0, $4  }
0xc: {  	s15 =	smov.u32 s2;
	s4 =	rddreg [dreg:$0x1];
	s7 =	smul.u32 s6, s7  }
0xd: {  	s3 =	rddreg [dreg:$0x2];
	_ =	strace $0x8000004D;
	s6 =	simm.s32 $0x1  }
0xe: {  	s14 =	smov.u32 s1;
	[sflag:s6] =	ssyncpa.u1 $0x0;
	s7 =	sshll.u32 s7, $0x6  }
0xf: {  	p0 =	por $0x0, $0x0;
	[sflag:s31] =	ssyncpa.u1 $0x0;
	s8 =	sor.u32 $0x1, s7  }
.LBB1_4:
0x10: {  	s22 =	sshll.u32 s11, $0x3;
	s23 =	sshra.s32 s12, $0x1F  }
0x11: {  	p1 =	sgt.s32 s12, $0x1;
	s25 =	smov.u32 s12;
	p2 =	sgt.s32 s11, $0x780  }
0x12: {  	s27 =	sshra.s32 s11, $0x1F;
	s28 =	smov.u32 s10;
	s29 =	sshra.s32 s10, $0x1F  }
0x13: {  	s31 =	sand.u32 $0x78, s11;
	s24 =	sshrl.u32 s22, $0xB;
	s23 =	sand.u32 s23, s12  }
0x14: {  	s25 =	simm.s32 @!p1 $0x1;
	s27 =	sand.u32 s27, s11;
	s22 =	sand.u32 $0x400, s22  }
0x15: {  	s26 =	smulhi.u32 $0x6666667, s24;
	s23 =	sxor.u32 $0xFFFFFFFF, s23;
	s22 =	sor.u32 s31, s22  }
0x16: {  	s31 =	smul.u32 $0x2800, s10;
	s23 =	sadd.s32 s23, s25;
	s25 =	smov.u32 s11  }
0x17: {  	p1 =	sgt.s32 s23, $0x0;
	s25 =	simm.s32 @!p2 $0x780;
	p2 =	sgt.s32 s10, $0x3F  }
0x18: {  	s23 =	ssub.s32 $0x1, s23;
	s26 =	smul.u32 $0x28, s26;
	s25 =	ssub.s32 s25, s27  }
0x19: {  	s28 =	simm.s32 @!p2 $0x3F;
	s27 =	sand.u32 s29, s10;
	s23 =	smul.u32 $0x28, s23  }
0x1a: {  	s27 =	ssub.s32 s28, s27;
	s30 =	sadd.s32 $0xFFFFF880, s25;
	s25 =	ssub.s32 $0x800, s25  }
0x1b: {  	s24 =	ssub.s32 s24, s26;
	p2 =	sgt.s32 s30, $0x7F;
	s23 =	simm.s32 @p1 $0x0  }
0x1c: {  	s29 =	sadd.s32 $0xFFFFFFC1, s27;
	s30 =	smul.u32 $0xA0000, s12;
	s25 =	simm.s32 @p2 $0x0  }
0x1d: {  	p1 =	sgt.s32 s29, $0x0;
	s23 =	smul.u32 s25, s23;
	s25 =	ssub.s32 $0x40, s27  }
0x1e: {  	s28 =	sand.u32 $0x7, s11;
	s27 =	sadd.s32 s4, s30;
	s25 =	simm.s32 @p1 $0x0  }
0x1f: {  	[tilespmem:s21+$0x810 ss:$0x81] =	vst.msk $0xffff, v2;
	s24 =	sshll.u32 s24, $0x8;
	s23 =	smul.u32 s25, s23;
	s25 =	sadd.s32 s31, s27  }
0x20: {  	[tilespmem:s21+$0x1020 ss:$0x81] =	vst.msk $0xffff, v0;
	s22 =	sshrl.u32 s22, $0x3;
	s29 =	sshll.u32 s28, $0x12;
	s24 =	sadd.s32 s24, s25  }
0x21: {  	[tilespmem:s21+$0x0 ss:$0x81] =	vst.msk $0xffff, v1;
	s31 =	sor.u32 $0x400, s29;
	s30 =	sand.u32 $0x3FFFFFF8, s23;
	s22 =	sadd.s32 s22, s24  }
0x22: {  	[hbm4b:s22+s31] =	stream.strided.scatter [tilespmem:s20], [sflag:$0x2], s30, s9, s31, $0x20;
	[tilespmem:$0x8080] =	vst v63  }
.LBB1_5:
0x23: {  	p1 =	slt.u32 s16, $0x2;
	s21 =	smov.u32 s19  }
0x24: {  	s22 =	smov.u32 s17;
	p2 =	sgt.s32 @!p1 s19, $0x1;
	s20 =	sshra.s32 @!p1 s19, $0x1F  }
0x25: {  	p3 =	sgt.s32 @!p1 s18, $0x780;
	p2 =	por !p2, p1;
	s19 =	sand.u32 @!p1 s20, s19  }
0x26: {  	p3 =	por !p3, p1;
	s20 =	smov.u32 s18;
	s21 =	simm.s32 @p2 $0x1  }
0x27: {  	s19 =	sxor.u32 @!p1 $0xFFFFFFFF, s19;
	s20 =	simm.s32 @p3 $0x780;
	p3 =	sgt.s32 @!p1 s17, $0x3F  }
0x28: {  	s19 =	sadd.s32 @!p1 s19, s21;
	s21 =	sshra.s32 @!p1 s18, $0x1F;
	p3 =	por !p3, p1  }
0x29: {  	p2 =	sgt.s32 @!p1 s19, $0x0;
	s18 =	sand.u32 @!p1 s21, s18;
	s21 =	sshra.s32 @!p1 s17, $0x1F  }
0x2a: {  	s22 =	simm.s32 @p3 $0x3F;
	s19 =	ssub.s32 @!p1 $0x1, s19;
	s18 =	ssub.s32 @!p1 s20, s18  }
0x2b: {  	s17 =	sand.u32 @!p1 s21, s17;
	s19 =	smul.u32 @!p1 $0x28, s19;
	s20 =	sadd.s32 @!p1 $0xFFFFF880, s18  }
0x2c: {  	p2 =	por !p2, p1;
	s17 =	ssub.s32 @!p1 s22, s17;
	p3 =	sgt.s32 @!p1 s20, $0x7F  }
0x2d: {  	s18 =	ssub.s32 @!p1 $0x800, s18;
	s21 =	sadd.s32 @!p1 $0xFFFFFFC1, s17;
	p3 =	por !p3, p1  }
0x2e: {  	s19 =	simm.s32 @!p2 $0x0;
	s18 =	simm.s32 @!p3 $0x0;
	p3 =	sgt.s32 @!p1 s21, $0x0  }
0x2f: {  	s17 =	ssub.s32 @!p1 $0x40, s17;
	p2 =	por !p3, p1;
	s18 =	smul.u32 @!p1 s18, s19  }
0x30: {  	s20 =	sadd.s32 $0x1, s13;
	s21 =	smov.u32 s14;
	s17 =	simm.s32 @!p2 $0x0  }
0x31: {  	p2 =	sgt.s32 s20, $0x3F;
	s17 =	smul.u32 @!p1 s17, s18;
	s18 =	sadd.s32 $0x800, s14  }
0x32: {  	s21 =	smov.u32 @p2 s18  }
0x33: {  	s23 =	smov.u32 s15;
	s18 =	sadd.s32 $0x2, s15;
	p3 =	sgt.s32 s21, $0x7FF  }
0x34: {  	p0 =	por !p0, !p0;
	s22 =	simm.s32 @!p1 $0x2;
	s23 =	smov.u32 @p3 s18  }
0x35: {  	s19 =	smov.u32 s12;
	s20 =	simm.s32 @p2 $0x0;
	p2 =	sgt.s32 s23, $0x1  }
0x36: {  	s17 =	sand.u32 @!p1 $0x3FFFFFF8, s17;
	s23 =	smov.u32 @p2 s2;
	p2 =	sne.s32 s16, s8  }
.Ltmp1:
0x37: {  	s12 =	smov.u32 s15;
	_ =	swait.ge @!p1 [sflag:s22], s17;
	(pc) =	sbr.rel @!p2 .LBB1_6-.Ltmp1, $4  }
0x38: {  	s24 =	ssub.s32 @!p1 $0x0, s17;
	s21 =	smov.u32 @p3 s1;
	s17 =	smov.u32 s10  }
0x39: {  	s18 =	smov.u32 s11;
	s10 =	smov.u32 s13;
	s11 =	smov.u32 s14  }
0x3a: {  	s13 =	smov.u32 s20;
	[sflag:s22] =	ssyncset.done @!p1 $0x0;
	s14 =	smov.u32 s21  }
0x3b: {  	s16 =	sadd.s32 $0x1, s16;
	[sflag:s22] =	ssyncadd.s32 @!p1 s24;
	s15 =	smov.u32 s23  }
.LBB1_1:
0x3c: {  	p1 =	sge.u32 s16, s7;
	s31 =	sadd.s32 $0xFFFFFFFF, s16  }
0x3d: {  	s20 =	sxor.u32 @!p1 $0xFFFFFFFF, s16;
	s21 =	sshll.u32 @!p1 s15, $0x15;
	s22 =	sshll.u32 @!p1 s14, $0xA  }
0x3e: {  	s23 =	sshll.u32 @!p1 s13, $0x4;
	s20 =	sshll.u32 @!p1 s20, $0xD;
	s21 =	sadd.s32 @!p1 s5, s21  }
0x3f: {  	s23 =	sand.u32 @!p1 $0x3F0, s23;
	s20 =	sand.u32 @!p1 $0x2000, s20;
	s21 =	sadd.s32 @!p1 s22, s21  }
0x40: {  	s22 =	simm.s32 @!p1 $0x40;
	s21 =	sadd.s32 @!p1 s23, s21;
	s23 =	simm.s32 @!p1 $0x2000  }
0x41: {  	[tilespmem:s20], [sflag:$0x1] =	stream.strided.gather @!p1 [hbm4b:s21+s22], $0x2000, s23, s22, $0x38;
	[tilespmem:$0x8080] =	vst v63  }
0x42: {  	p1 =	sge.u32 s31, s7  }
.Ltmp2:
0x43: {  	_ = 	snop;
	(pc) =	sbr.rel @p1 .LBB1_5-.Ltmp2, $1  }
0x44: {  	_ =	sdelay $0x3  }
0x45: {  	s20 =	simm.s32 $0x1  }
0x46: {  	_ =	swait.ge [sflag:s6], $0x2000;
	s20 =	simm.s32 @!p0 $0x0  }
0x47: {  	[sflag:s6] =	ssyncset.done $0x0;
	s21 =	sshll.u32 s20, $0xD  }
0x48: {  	[sflag:s6] =	ssyncadd.s32 $0xFFFFE000;
	s24 =	sor.u32 $0x20, s21  }
0x49: {  	s20 =	smul.u32 $0x8100, s20;
	v3 =	vld [tilespmem:s24+$0x10]  }
0x4a: {  	s30 =	sand.u32 $0x1, s16;
	v2 =	vld [tilespmem:s24+$0xFFFFFFF0]  }
0x4b: {  	s21 =	smul.u32 $0x8100, s30;
	s20 =	sshrl.u32 s20, $0x2;
	v0 =	vld [tilespmem:s24+$0x0]  }
0x4c: {  	v1 =	vld [tilespmem:s24+$0xFFFFFFE0];
	s22 =	sor.u32 $0x4000, s20  }
0x4d: {  	s31 =	sshrl.u32 s21, $0x2;
	s21 =	sadd.s32 $0x0, s22  }
0x4e: {  	s23 =	simm.s32 $0x4;
	s24 =	sadd.s32 $0x40, s24;
	s20 =	sor.u32 $0x4000, s31;
	[tilespmem:s21+$0x1830 ss:$0x81] =	vst.msk $0xffff, v3  }
.LBB1_3:
0x4f: {  	v3 =	vld [tilespmem:s24+$0x10];
	p1 =	sne.s32 s23, $0x1FC;
	[tilespmem:s21+$0x810 ss:$0x81] =	vst.msk $0xffff, v2;
	s25 =	smov.u32 s23;
	s23 =	sadd.s32 $0x4, s23  }
.Ltmp3:
0x50: {  	v2 =	vld [tilespmem:s24+$0xFFFFFFF0];
	[tilespmem:s21+$0x1020 ss:$0x81] =	vst.msk $0xffff, v0;
	(pc) =	sbr.rel @p1 .LBB1_3-.Ltmp3, $4  }
0x51: {  	v0 =	vld [tilespmem:s24+$0x0];
	[tilespmem:s21+$0x0 ss:$0x81] =	vst.msk $0xffff, v1  }
0x52: {  	s21 =	sshra.s32 s25, $0x2;
	v1 =	vld [tilespmem:s24+$0xFFFFFFE0]  }
0x53: {  	s21 =	sadd.s32 s21, s22  }
0x54: {  	s24 =	sadd.s32 $0x40, s24;
	[tilespmem:s21+$0x1830 ss:$0x81] =	vst.msk $0xffff, v3  }
.Ltmp4:
0x55: {  	_ = 	snop;
	(pc) =	sbr.rel .LBB1_4-.Ltmp4, $1  }
0x56: {  	_ =	sdelay $0x3  }
.LBB1_6:
0x57: {  	_ =	sfence.sel $0x180000  }
0x58: {  	s1 =	simm.s32 $0x1;
	[bflag:$0x0] =	sbarrier.arrive $0xFFFF  }
0x59: {  	s31 =	simm.s32 $0x2;
	[sflag:s1] =	ssyncpa.u1 $0x1  }
0x5a: {  	[sflag:s31] =	ssyncpa.u1 $0x1  }
0x5b: {  	p0 =	sne.s32 s0, $0x0;
	_ =	strace $0x9000004D  }
0x5c: {  	s0 =	sadd.s32 @!p0 $0x100000, s3;
	[bflag:$0x2] =	sbarrier.arrive $0xFFFF  }
0x5d: {  	[sflag:s0] =	ssyncadd.tile.s32 @!p0 $0x1;
	_ =	shalt  }
.Lfunc_end1:
_tile_overlayer_lowered:
.L_overlay_start_2:
0x5e: {  	(tag) =	ssettag $0x2  }
0x5f: {  	s0 =	rddreg [dreg:$0x0];
	s2 =	stileid.u32  }
0x60: {  	s1 =	rddreg [dreg:$0x1];
	p0 =	sne.s32 s2, $0x0  }
0x61: {  	s3 =	rddreg [dreg:$0x2];
	[bflag:$0x3] =	sbarrier.arrive $0xFFFF;
	s2 =	simm.s32 @!p0 $0x1C01  }
0x62: {  	[timem:s3], [sflag:s2] =	dma.local @!p0 [hbm:s0], s1  }
0x63: {  	s0 =	simm.s32 @!p0 $0x1  }
0x64: {  	_ =	swait.ge @!p0 [sflag:s0], s1  }
0x65: {  	s1 =	ssub.s32 @!p0 $0x0, s1;
	[sflag:s0] =	ssyncset.done @!p0 $0x0  }
0x66: {  	[sflag:s0] =	ssyncadd.s32 @!p0 s1  }
0x67: {  	[bflag:$0x3] =	sbarrier.arrive $0xFFFF  }
0x68: {  	_ =	shalt  }

</sc_bundles>
